<compile_context>
chip_gen: v7x
topology: tpu7x:2x2x1
jax: 0.10.2.dev20260603
libtpu: 0.0.44.dev20260713+nightly
codegen_flags: <defaults>
</compile_context>

<pallas_src>
import functools

import jax
import jax.numpy as jnp
from jax import lax
from jax.experimental import pallas as pl
from jax.experimental.pallas import tpu as pltpu
from jax.experimental.pallas import tpu_sc as plsc
from jax._src.state.indexing import NDIndexer as _NDIndexer
from jax._src.state.indexing import Slice as _Slice
from jax._src.state.types import TransformedRef as _TransformedRef

_NUM_EMB = 130
_DIM = 2048
_E0 = 4096
_E1 = 50
_E1P = 56
_S = 1024
_BE0 = 8

_NC = 2
_NS = 16
_NW = _NC * _NS
_SPW = _S // _NW
_NK = _E1P // 8


def _sc_body(table_hbm, idx_hbm, out_hbm, idx_v, *rest):
    bufs = rest[:_NK]
    gsem = rest[_NK:2 * _NK]
    wsem = rest[2 * _NK:3 * _NK]

    c = lax.axis_index("c")
    s = lax.axis_index("s")
    wid = s * _NC + c
    slab0 = wid * _SPW

    pltpu.sync_copy(idx_hbm.at[pl.ds(slab0, _SPW), :], idx_v)

    def _dst(sl, k):
        if k < _NK - 1:
            return out_hbm.at[slab0 + sl, pl.ds(8 * k, 8), :]
        nd = _NDIndexer((slab0 + sl, _Slice(48, 8), _Slice(0, _DIM)),
                        (_S, _E1, _DIM), (), validate=False)
        return _TransformedRef(out_hbm, (nd,))

    def gather_start(sl, k):
        pltpu.async_copy(table_hbm.at[idx_v.at[sl, pl.ds(8 * k, 8)]],
                         bufs[k], gsem[k])

    def gather_wait(sl, k):
        pltpu.make_async_copy(table_hbm.at[idx_v.at[sl, pl.ds(8 * k, 8)]],
                              bufs[k], gsem[k]).wait()

    def write_start(sl, k):
        pltpu.async_copy(bufs[k], _dst(sl, k), wsem[k])

    def write_wait(sl, k):
        pltpu.make_async_copy(bufs[k], _dst(sl, k), wsem[k]).wait()

    for k in range(_NK):
        gather_start(0, k)

    def slab_loop(sl, carry):
        for k in range(_NK):
            gather_wait(sl, k)
            write_start(sl, k)

            @pl.when(sl + 1 < _SPW)
            def _():
                write_wait(sl, k)
                gather_start(sl + 1, k)
        return carry

    lax.fori_loop(0, _SPW, slab_loop, 0)

    for k in range(_NK):
        write_wait(_SPW - 1, k)


@functools.partial(
    pl.kernel,
    out_type=jax.ShapeDtypeStruct((_S, _E1, _DIM), jnp.float32),
    mesh=plsc.VectorSubcoreMesh(core_axis_name="c", subcore_axis_name="s"),
    scratch_types=(
        [pltpu.VMEM((_SPW, _E1P), jnp.int32)]
        + [pltpu.VMEM((8, _DIM), jnp.float32)] * _NK
        + [pltpu.SemaphoreType.DMA] * (2 * _NK)
    ),
)
def _sc_embed(table_hbm, idx_hbm, out_hbm, *scratch):
    _sc_body(table_hbm, idx_hbm, out_hbm, *scratch)


def _tc_body(idx_ref, table_ref, out_ref):
    table = table_ref[...].astype(jnp.bfloat16)
    iota = jax.lax.broadcasted_iota(jnp.int32, (1, _NUM_EMB), 1)
    for i in range(_BE0):
        idx = idx_ref[i, :].reshape(_E1, 1)
        onehot = (idx == iota).astype(jnp.bfloat16)
        out_ref[i] = jnp.dot(onehot, table,
                             preferred_element_type=jnp.float32)


def _tc_part(idx2d, table):
    n = _E0 - _S
    return pl.pallas_call(
        _tc_body,
        grid=(n // _BE0,),
        in_specs=[
            pl.BlockSpec((_BE0, _E1), lambda i: (i, 0)),
            pl.BlockSpec((_NUM_EMB, _DIM), lambda i: (0, 0)),
        ],
        out_specs=pl.BlockSpec((_BE0, _E1, _DIM), lambda i: (i, 0, 0)),
        out_shape=jax.ShapeDtypeStruct((n, _E1, _DIM), jnp.float32),
    )(idx2d, table)


def kernel(Position, pos_embed_weight):
    idx2d = Position.astype(jnp.int32)
    idx_a = jnp.pad(idx2d[:_S], ((0, 0), (0, _E1P - _E1)))
    a3d = _sc_embed(pos_embed_weight, idx_a)
    b3d = _tc_part(idx2d[_S:], pos_embed_weight)
    return jnp.concatenate([a3d, b3d], axis=0)

# --- scband reference (transcript-rebuilt; emitter-appended) ---
"""Pipeline reference for scband-pos-l1-embed-21397527068731 (READ-ONLY COPY).

The authoritative reference and input builder live on the scoring server;
editing this copy changes nothing except your own understanding.
"""

import jax, jax.numpy as jnp
import numpy as np

NUM_EMB = 130
DIM = 2048


def setup_inputs(seed: int = 0) -> dict:
    key = jax.random.key(seed)
    k1, k2 = jax.random.split(key)
    Position = jax.random.randint(k1, (4096, 50), 0, NUM_EMB, dtype=jnp.int64 if jax.config.jax_enable_x64 else jnp.int32)
    pos_embed_weight = jax.random.normal(k2, (NUM_EMB, DIM), dtype=jnp.float32)
    return {"Position": Position, "pos_embed_weight": pos_embed_weight}


def reference(Position, pos_embed_weight):
    # nn.Embedding lookup: table[idx]
    position_embed = jnp.take(pos_embed_weight, Position, axis=0)
    return position_embed

if __name__ == "__main__":
    import jax
    _d = setup_inputs()
    print(jax.jit(kernel)(*tuple(_d.values())))

</pallas_src>

<mosaic_0001>
#map = affine_map<(d0, d1) -> (0, 0)>
#map1 = affine_map<(d0, d1) -> (0, 0, 0)>
module attributes {stable_mosaic.version = 14 : i64} {
  func.func @_sc_embed(%arg0: i32, %arg1: i32, %arg2: memref<130x2048xf32, #tpu.memory_space<hbm>>, %arg3: memref<1024x56xi32, #tpu.memory_space<hbm>>, %arg4: memref<1024x50x2048xf32, #tpu.memory_space<hbm>>, %arg5: memref<32x56xi32, #tpu.memory_space<vmem>>, %arg6: memref<8x2048xf32, #tpu.memory_space<vmem>>, %arg7: memref<8x2048xf32, #tpu.memory_space<vmem>>, %arg8: memref<8x2048xf32, #tpu.memory_space<vmem>>, %arg9: memref<8x2048xf32, #tpu.memory_space<vmem>>, %arg10: memref<8x2048xf32, #tpu.memory_space<vmem>>, %arg11: memref<8x2048xf32, #tpu.memory_space<vmem>>, %arg12: memref<8x2048xf32, #tpu.memory_space<vmem>>, %arg13: memref<!tpu.dma_semaphore, #tpu.memory_space<semaphore_mem>>, %arg14: memref<!tpu.dma_semaphore, #tpu.memory_space<semaphore_mem>>, %arg15: memref<!tpu.dma_semaphore, #tpu.memory_space<semaphore_mem>>, %arg16: memref<!tpu.dma_semaphore, #tpu.memory_space<semaphore_mem>>, %arg17: memref<!tpu.dma_semaphore, #tpu.memory_space<semaphore_mem>>, %arg18: memref<!tpu.dma_semaphore, #tpu.memory_space<semaphore_mem>>, %arg19: memref<!tpu.dma_semaphore, #tpu.memory_space<semaphore_mem>>, %arg20: memref<!tpu.dma_semaphore, #tpu.memory_space<semaphore_mem>>, %arg21: memref<!tpu.dma_semaphore, #tpu.memory_space<semaphore_mem>>, %arg22: memref<!tpu.dma_semaphore, #tpu.memory_space<semaphore_mem>>, %arg23: memref<!tpu.dma_semaphore, #tpu.memory_space<semaphore_mem>>, %arg24: memref<!tpu.dma_semaphore, #tpu.memory_space<semaphore_mem>>, %arg25: memref<!tpu.dma_semaphore, #tpu.memory_space<semaphore_mem>>, %arg26: memref<!tpu.dma_semaphore, #tpu.memory_space<semaphore_mem>>) attributes {dimension_semantics = [#tpu.dimension_semantics<core_parallel>, #tpu.dimension_semantics<subcore_parallel>], iteration_bounds = array<i64: 2, 16>, scalar_prefetch = 0 : i64, scratch_operands = 22 : i64, tpu.core_type = #tpu.core_type<sc_vector_subcore>, window_params = [{transform_indices = #map}, {transform_indices = #map}, {transform_indices = #map1}]} {
    %mul3A = arith.constant 2 : i32
    %mul3A_0 = arith.muli %arg1, %mul3A : i32
    %add3A = arith.addi %mul3A_0, %arg0 : i32
    %mul3A_1 = arith.constant 32 : i32
    %mul3A_2 = arith.muli %add3A, %mul3A_1 : i32
    "tpu.region"() ({
      %run_scoped3A = tpu.sem_alloc : memref<!tpu.dma_semaphore, #tpu.memory_space<semaphore_mem>>
      %dma_start3A_125 = arith.constant 0 : i32
      %dma_start3A_126 = tpu.memref_slice %arg3[%mul3A_2, %dma_start3A_125] : memref<1024x56xi32, #tpu.memory_space<hbm>> -> memref<32x56xi32, #tpu.memory_space<hbm>>
      %dma_start3A_127 = arith.constant 0 : i32
      %dma_start3A_128 = tpu.memref_slice %arg3[%mul3A_2, %dma_start3A_127] : memref<1024x56xi32, #tpu.memory_space<hbm>> -> memref<32x56xi32, #tpu.memory_space<hbm>>
      tpu.enqueue_dma source(%dma_start3A_128 : memref<32x56xi32, #tpu.memory_space<hbm>>) target(%arg5 : memref<32x56xi32, #tpu.memory_space<vmem>>) target_semaphore(%run_scoped3A : memref<!tpu.dma_semaphore, #tpu.memory_space<semaphore_mem>>)
      %dma_wait3A_129 = arith.constant 0 : i32
      %dma_wait3A_130 = tpu.memref_slice %arg3[%mul3A_2, %dma_wait3A_129] : memref<1024x56xi32, #tpu.memory_space<hbm>> -> memref<32x56xi32, #tpu.memory_space<hbm>>
      %dma_wait3A_131 = arith.constant 0 : i32
      %dma_wait3A_132 = tpu.memref_slice %arg3[%mul3A_2, %dma_wait3A_131] : memref<1024x56xi32, #tpu.memory_space<hbm>> -> memref<32x56xi32, #tpu.memory_space<hbm>>
      tpu.wait_dma2 semaphore(%run_scoped3A : memref<!tpu.dma_semaphore, #tpu.memory_space<semaphore_mem>>) src(%dma_wait3A_132 : memref<32x56xi32, #tpu.memory_space<hbm>>) dst(%arg5 : memref<32x56xi32, #tpu.memory_space<vmem>>)
      tpu.yield
    }) : () -> ()
    %dma_start3A = arith.constant 0 : i32
    %dma_start3A_3 = arith.constant 0 : i32
    %dma_start3A_4 = tpu.memref_slice %arg5[%dma_start3A, %dma_start3A_3] : memref<32x56xi32, #tpu.memory_space<vmem>> -> memref<1x8xi32, #tpu.memory_space<vmem>>
    %dma_start3A_5 = tpu.memref_squeeze %dma_start3A_4 : memref<1x8xi32, #tpu.memory_space<vmem>> -> memref<8xi32, #tpu.memory_space<vmem>>
    %dma_start3A_6 = arith.constant 0 : i32
    %dma_start3A_7 = arith.constant 0 : i32
    %dma_start3A_8 = tpu.memref_slice %arg2[%dma_start3A_6, %dma_start3A_7] : memref<130x2048xf32, #tpu.memory_space<hbm>> -> memref<130x2048xf32, #tpu.memory_space<hbm>>
    tpu.enqueue_indirect_dma source(%dma_start3A_8 : memref<130x2048xf32, #tpu.memory_space<hbm>>) target(%arg6 : memref<8x2048xf32, #tpu.memory_space<vmem>>) offsets(%dma_start3A_5 : memref<8xi32, #tpu.memory_space<vmem>>) semaphore(%arg13 : memref<!tpu.dma_semaphore, #tpu.memory_space<semaphore_mem>>)
    %dma_start3A_9 = arith.constant 0 : i32
    %dma_start3A_10 = arith.constant 8 : i32
    %dma_start3A_11 = tpu.memref_slice %arg5[%dma_start3A_9, %dma_start3A_10] : memref<32x56xi32, #tpu.memory_space<vmem>> -> memref<1x8xi32, #tpu.memory_space<vmem>>
    %dma_start3A_12 = tpu.memref_squeeze %dma_start3A_11 : memref<1x8xi32, #tpu.memory_space<vmem>> -> memref<8xi32, #tpu.memory_space<vmem>>
    %dma_start3A_13 = arith.constant 0 : i32
    %dma_start3A_14 = arith.constant 0 : i32
    %dma_start3A_15 = tpu.memref_slice %arg2[%dma_start3A_13, %dma_start3A_14] : memref<130x2048xf32, #tpu.memory_space<hbm>> -> memref<130x2048xf32, #tpu.memory_space<hbm>>
    tpu.enqueue_indirect_dma source(%dma_start3A_15 : memref<130x2048xf32, #tpu.memory_space<hbm>>) target(%arg7 : memref<8x2048xf32, #tpu.memory_space<vmem>>) offsets(%dma_start3A_12 : memref<8xi32, #tpu.memory_space<vmem>>) semaphore(%arg14 : memref<!tpu.dma_semaphore, #tpu.memory_space<semaphore_mem>>)
    %dma_start3A_16 = arith.constant 0 : i32
    %dma_start3A_17 = arith.constant 16 : i32
    %dma_start3A_18 = tpu.memref_slice %arg5[%dma_start3A_16, %dma_start3A_17] : memref<32x56xi32, #tpu.memory_space<vmem>> -> memref<1x8xi32, #tpu.memory_space<vmem>>
    %dma_start3A_19 = tpu.memref_squeeze %dma_start3A_18 : memref<1x8xi32, #tpu.memory_space<vmem>> -> memref<8xi32, #tpu.memory_space<vmem>>
    %dma_start3A_20 = arith.constant 0 : i32
    %dma_start3A_21 = arith.constant 0 : i32
    %dma_start3A_22 = tpu.memref_slice %arg2[%dma_start3A_20, %dma_start3A_21] : memref<130x2048xf32, #tpu.memory_space<hbm>> -> memref<130x2048xf32, #tpu.memory_space<hbm>>
    tpu.enqueue_indirect_dma source(%dma_start3A_22 : memref<130x2048xf32, #tpu.memory_space<hbm>>) target(%arg8 : memref<8x2048xf32, #tpu.memory_space<vmem>>) offsets(%dma_start3A_19 : memref<8xi32, #tpu.memory_space<vmem>>) semaphore(%arg15 : memref<!tpu.dma_semaphore, #tpu.memory_space<semaphore_mem>>)
    %dma_start3A_23 = arith.constant 0 : i32
    %dma_start3A_24 = arith.constant 24 : i32
    %dma_start3A_25 = tpu.memref_slice %arg5[%dma_start3A_23, %dma_start3A_24] : memref<32x56xi32, #tpu.memory_space<vmem>> -> memref<1x8xi32, #tpu.memory_space<vmem>>
    %dma_start3A_26 = tpu.memref_squeeze %dma_start3A_25 : memref<1x8xi32, #tpu.memory_space<vmem>> -> memref<8xi32, #tpu.memory_space<vmem>>
    %dma_start3A_27 = arith.constant 0 : i32
    %dma_start3A_28 = arith.constant 0 : i32
    %dma_start3A_29 = tpu.memref_slice %arg2[%dma_start3A_27, %dma_start3A_28] : memref<130x2048xf32, #tpu.memory_space<hbm>> -> memref<130x2048xf32, #tpu.memory_space<hbm>>
    tpu.enqueue_indirect_dma source(%dma_start3A_29 : memref<130x2048xf32, #tpu.memory_space<hbm>>) target(%arg9 : memref<8x2048xf32, #tpu.memory_space<vmem>>) offsets(%dma_start3A_26 : memref<8xi32, #tpu.memory_space<vmem>>) semaphore(%arg16 : memref<!tpu.dma_semaphore, #tpu.memory_space<semaphore_mem>>)
    %dma_start3A_30 = arith.constant 0 : i32
    %dma_start3A_31 = arith.constant 32 : i32
    %dma_start3A_32 = tpu.memref_slice %arg5[%dma_start3A_30, %dma_start3A_31] : memref<32x56xi32, #tpu.memory_space<vmem>> -> memref<1x8xi32, #tpu.memory_space<vmem>>
    %dma_start3A_33 = tpu.memref_squeeze %dma_start3A_32 : memref<1x8xi32, #tpu.memory_space<vmem>> -> memref<8xi32, #tpu.memory_space<vmem>>
    %dma_start3A_34 = arith.constant 0 : i32
    %dma_start3A_35 = arith.constant 0 : i32
    %dma_start3A_36 = tpu.memref_slice %arg2[%dma_start3A_34, %dma_start3A_35] : memref<130x2048xf32, #tpu.memory_space<hbm>> -> memref<130x2048xf32, #tpu.memory_space<hbm>>
    tpu.enqueue_indirect_dma source(%dma_start3A_36 : memref<130x2048xf32, #tpu.memory_space<hbm>>) target(%arg10 : memref<8x2048xf32, #tpu.memory_space<vmem>>) offsets(%dma_start3A_33 : memref<8xi32, #tpu.memory_space<vmem>>) semaphore(%arg17 : memref<!tpu.dma_semaphore, #tpu.memory_space<semaphore_mem>>)
    %dma_start3A_37 = arith.constant 0 : i32
    %dma_start3A_38 = arith.constant 40 : i32
    %dma_start3A_39 = tpu.memref_slice %arg5[%dma_start3A_37, %dma_start3A_38] : memref<32x56xi32, #tpu.memory_space<vmem>> -> memref<1x8xi32, #tpu.memory_space<vmem>>
    %dma_start3A_40 = tpu.memref_squeeze %dma_start3A_39 : memref<1x8xi32, #tpu.memory_space<vmem>> -> memref<8xi32, #tpu.memory_space<vmem>>
    %dma_start3A_41 = arith.constant 0 : i32
    %dma_start3A_42 = arith.constant 0 : i32
    %dma_start3A_43 = tpu.memref_slice %arg2[%dma_start3A_41, %dma_start3A_42] : memref<130x2048xf32, #tpu.memory_space<hbm>> -> memref<130x2048xf32, #tpu.memory_space<hbm>>
    tpu.enqueue_indirect_dma source(%dma_start3A_43 : memref<130x2048xf32, #tpu.memory_space<hbm>>) target(%arg11 : memref<8x2048xf32, #tpu.memory_space<vmem>>) offsets(%dma_start3A_40 : memref<8xi32, #tpu.memory_space<vmem>>) semaphore(%arg18 : memref<!tpu.dma_semaphore, #tpu.memory_space<semaphore_mem>>)
    %dma_start3A_44 = arith.constant 0 : i32
    %dma_start3A_45 = arith.constant 48 : i32
    %dma_start3A_46 = tpu.memref_slice %arg5[%dma_start3A_44, %dma_start3A_45] : memref<32x56xi32, #tpu.memory_space<vmem>> -> memref<1x8xi32, #tpu.memory_space<vmem>>
    %dma_start3A_47 = tpu.memref_squeeze %dma_start3A_46 : memref<1x8xi32, #tpu.memory_space<vmem>> -> memref<8xi32, #tpu.memory_space<vmem>>
    %dma_start3A_48 = arith.constant 0 : i32
    %dma_start3A_49 = arith.constant 0 : i32
    %dma_start3A_50 = tpu.memref_slice %arg2[%dma_start3A_48, %dma_start3A_49] : memref<130x2048xf32, #tpu.memory_space<hbm>> -> memref<130x2048xf32, #tpu.memory_space<hbm>>
    tpu.enqueue_indirect_dma source(%dma_start3A_50 : memref<130x2048xf32, #tpu.memory_space<hbm>>) target(%arg12 : memref<8x2048xf32, #tpu.memory_space<vmem>>) offsets(%dma_start3A_47 : memref<8xi32, #tpu.memory_space<vmem>>) semaphore(%arg19 : memref<!tpu.dma_semaphore, #tpu.memory_space<semaphore_mem>>)
    %scan3A = arith.constant 0 : i32
    %scan3A_51 = arith.constant 0 : i32
    %scan3A_52 = arith.constant 32 : i32
    %scan3A_53 = arith.addi %scan3A_51, %scan3A_52 : i32
    %scan3A_54 = arith.constant 1 : i32
    scf.for %scan3A_125 = %scan3A_51 to %scan3A_53 step %scan3A_54  : i32 {
      %dma_wait3A_126 = arith.constant 0 : i32
      %dma_wait3A_127 = tpu.memref_slice %arg5[%scan3A_125, %dma_wait3A_126] : memref<32x56xi32, #tpu.memory_space<vmem>> -> memref<1x8xi32, #tpu.memory_space<vmem>>
      %dma_wait3A_128 = tpu.memref_squeeze %dma_wait3A_127 : memref<1x8xi32, #tpu.memory_space<vmem>> -> memref<8xi32, #tpu.memory_space<vmem>>
      %dma_wait3A_129 = arith.constant 0 : i32
      %dma_wait3A_130 = arith.constant 0 : i32
      %dma_wait3A_131 = tpu.memref_slice %arg2[%dma_wait3A_129, %dma_wait3A_130] : memref<130x2048xf32, #tpu.memory_space<hbm>> -> memref<130x2048xf32, #tpu.memory_space<hbm>>
      tpu.wait_indirect_dma semaphore(%arg13 : memref<!tpu.dma_semaphore, #tpu.memory_space<semaphore_mem>>) src(%dma_wait3A_131 : memref<130x2048xf32, #tpu.memory_space<hbm>>) dst(%arg6 : memref<8x2048xf32, #tpu.memory_space<vmem>>)
      %add3A_132 = arith.addi %mul3A_2, %scan3A_125 : i32
      %dma_start3A_133 = arith.constant 0 : i32
      %dma_start3A_134 = arith.constant 0 : i32
      %dma_start3A_135 = tpu.memref_slice %arg4[%add3A_132, %dma_start3A_133, %dma_start3A_134] : memref<1024x50x2048xf32, #tpu.memory_space<hbm>> -> memref<1x8x2048xf32, #tpu.memory_space<hbm>>
      %dma_start3A_136 = tpu.memref_squeeze %dma_start3A_135 : memref<1x8x2048xf32, #tpu.memory_space<hbm>> -> memref<8x2048xf32, #tpu.memory_space<hbm>>
      %dma_start3A_137 = arith.constant 0 : i32
      %dma_start3A_138 = arith.constant 0 : i32
      %dma_start3A_139 = tpu.memref_slice %arg4[%add3A_132, %dma_start3A_137, %dma_start3A_138] : memref<1024x50x2048xf32, #tpu.memory_space<hbm>> -> memref<1x8x2048xf32, #tpu.memory_space<hbm>>
      %dma_start3A_140 = tpu.memref_squeeze %dma_start3A_139 : memref<1x8x2048xf32, #tpu.memory_space<hbm>> -> memref<8x2048xf32, #tpu.memory_space<hbm>>
      tpu.enqueue_dma source(%arg6 : memref<8x2048xf32, #tpu.memory_space<vmem>>) target(%dma_start3A_140 : memref<8x2048xf32, #tpu.memory_space<hbm>>) target_semaphore(%arg20 : memref<!tpu.dma_semaphore, #tpu.memory_space<semaphore_mem>>)
      %add3A_141 = arith.constant 1 : i32
      %add3A_142 = arith.addi %scan3A_125, %add3A_141 : i32
      %lt3A = arith.constant 32 : i32
      %lt3A_143 = arith.cmpi slt, %add3A_142, %lt3A : i32
      %convert_element_type3A = arith.extui %lt3A_143 : i1 to i32
      %cond3A = arith.constant 0 : i32
      %cond3A_144 = arith.cmpi ne, %convert_element_type3A, %cond3A : i32
      scf.if %cond3A_144 {
        %add3A_277 = arith.addi %mul3A_2, %scan3A_125 : i32
        %dma_wait3A_278 = arith.constant 0 : i32
        %dma_wait3A_279 = arith.constant 0 : i32
        %dma_wait3A_280 = tpu.memref_slice %arg4[%add3A_277, %dma_wait3A_278, %dma_wait3A_279] : memref<1024x50x2048xf32, #tpu.memory_space<hbm>> -> memref<1x8x2048xf32, #tpu.memory_space<hbm>>
        %dma_wait3A_281 = tpu.memref_squeeze %dma_wait3A_280 : memref<1x8x2048xf32, #tpu.memory_space<hbm>> -> memref<8x2048xf32, #tpu.memory_space<hbm>>
        %dma_wait3A_282 = arith.constant 0 : i32
        %dma_wait3A_283 = arith.constant 0 : i32
        %dma_wait3A_284 = tpu.memref_slice %arg4[%add3A_277, %dma_wait3A_282, %dma_wait3A_283] : memref<1024x50x2048xf32, #tpu.memory_space<hbm>> -> memref<1x8x2048xf32, #tpu.memory_space<hbm>>
        %dma_wait3A_285 = tpu.memref_squeeze %dma_wait3A_284 : memref<1x8x2048xf32, #tpu.memory_space<hbm>> -> memref<8x2048xf32, #tpu.memory_space<hbm>>
        tpu.wait_dma2 semaphore(%arg20 : memref<!tpu.dma_semaphore, #tpu.memory_space<semaphore_mem>>) src(%arg6 : memref<8x2048xf32, #tpu.memory_space<vmem>>) dst(%dma_wait3A_285 : memref<8x2048xf32, #tpu.memory_space<hbm>>)
        %add3A_286 = arith.constant 1 : i32
        %add3A_287 = arith.addi %scan3A_125, %add3A_286 : i32
        %dma_start3A_288 = arith.constant 0 : i32
        %dma_start3A_289 = tpu.memref_slice %arg5[%add3A_287, %dma_start3A_288] : memref<32x56xi32, #tpu.memory_space<vmem>> -> memref<1x8xi32, #tpu.memory_space<vmem>>
        %dma_start3A_290 = tpu.memref_squeeze %dma_start3A_289 : memref<1x8xi32, #tpu.memory_space<vmem>> -> memref<8xi32, #tpu.memory_space<vmem>>
        %dma_start3A_291 = arith.constant 0 : i32
        %dma_start3A_292 = arith.constant 0 : i32
        %dma_start3A_293 = tpu.memref_slice %arg2[%dma_start3A_291, %dma_start3A_292] : memref<130x2048xf32, #tpu.memory_space<hbm>> -> memref<130x2048xf32, #tpu.memory_space<hbm>>
        tpu.enqueue_indirect_dma source(%dma_start3A_293 : memref<130x2048xf32, #tpu.memory_space<hbm>>) target(%arg6 : memref<8x2048xf32, #tpu.memory_space<vmem>>) offsets(%dma_start3A_290 : memref<8xi32, #tpu.memory_space<vmem>>) semaphore(%arg13 : memref<!tpu.dma_semaphore, #tpu.memory_space<semaphore_mem>>)
      } else {
      }
      %dma_wait3A_145 = arith.constant 8 : i32
      %dma_wait3A_146 = tpu.memref_slice %arg5[%scan3A_125, %dma_wait3A_145] : memref<32x56xi32, #tpu.memory_space<vmem>> -> memref<1x8xi32, #tpu.memory_space<vmem>>
      %dma_wait3A_147 = tpu.memref_squeeze %dma_wait3A_146 : memref<1x8xi32, #tpu.memory_space<vmem>> -> memref<8xi32, #tpu.memory_space<vmem>>
      %dma_wait3A_148 = arith.constant 0 : i32
      %dma_wait3A_149 = arith.constant 0 : i32
      %dma_wait3A_150 = tpu.memref_slice %arg2[%dma_wait3A_148, %dma_wait3A_149] : memref<130x2048xf32, #tpu.memory_space<hbm>> -> memref<130x2048xf32, #tpu.memory_space<hbm>>
      tpu.wait_indirect_dma semaphore(%arg14 : memref<!tpu.dma_semaphore, #tpu.memory_space<semaphore_mem>>) src(%dma_wait3A_150 : memref<130x2048xf32, #tpu.memory_space<hbm>>) dst(%arg7 : memref<8x2048xf32, #tpu.memory_space<vmem>>)
      %add3A_151 = arith.addi %mul3A_2, %scan3A_125 : i32
      %dma_start3A_152 = arith.constant 8 : i32
      %dma_start3A_153 = arith.constant 0 : i32
      %dma_start3A_154 = tpu.memref_slice %arg4[%add3A_151, %dma_start3A_152, %dma_start3A_153] : memref<1024x50x2048xf32, #tpu.memory_space<hbm>> -> memref<1x8x2048xf32, #tpu.memory_space<hbm>>
      %dma_start3A_155 = tpu.memref_squeeze %dma_start3A_154 : memref<1x8x2048xf32, #tpu.memory_space<hbm>> -> memref<8x2048xf32, #tpu.memory_space<hbm>>
      %dma_start3A_156 = arith.constant 8 : i32
      %dma_start3A_157 = arith.constant 0 : i32
      %dma_start3A_158 = tpu.memref_slice %arg4[%add3A_151, %dma_start3A_156, %dma_start3A_157] : memref<1024x50x2048xf32, #tpu.memory_space<hbm>> -> memref<1x8x2048xf32, #tpu.memory_space<hbm>>
      %dma_start3A_159 = tpu.memref_squeeze %dma_start3A_158 : memref<1x8x2048xf32, #tpu.memory_space<hbm>> -> memref<8x2048xf32, #tpu.memory_space<hbm>>
      tpu.enqueue_dma source(%arg7 : memref<8x2048xf32, #tpu.memory_space<vmem>>) target(%dma_start3A_159 : memref<8x2048xf32, #tpu.memory_space<hbm>>) target_semaphore(%arg21 : memref<!tpu.dma_semaphore, #tpu.memory_space<semaphore_mem>>)
      %add3A_160 = arith.constant 1 : i32
      %add3A_161 = arith.addi %scan3A_125, %add3A_160 : i32
      %lt3A_162 = arith.constant 32 : i32
      %lt3A_163 = arith.cmpi slt, %add3A_161, %lt3A_162 : i32
      %convert_element_type3A_164 = arith.extui %lt3A_163 : i1 to i32
      %cond3A_165 = arith.constant 0 : i32
      %cond3A_166 = arith.cmpi ne, %convert_element_type3A_164, %cond3A_165 : i32
      scf.if %cond3A_166 {
        %add3A_277 = arith.addi %mul3A_2, %scan3A_125 : i32
        %dma_wait3A_278 = arith.constant 8 : i32
        %dma_wait3A_279 = arith.constant 0 : i32
        %dma_wait3A_280 = tpu.memref_slice %arg4[%add3A_277, %dma_wait3A_278, %dma_wait3A_279] : memref<1024x50x2048xf32, #tpu.memory_space<hbm>> -> memref<1x8x2048xf32, #tpu.memory_space<hbm>>
        %dma_wait3A_281 = tpu.memref_squeeze %dma_wait3A_280 : memref<1x8x2048xf32, #tpu.memory_space<hbm>> -> memref<8x2048xf32, #tpu.memory_space<hbm>>
        %dma_wait3A_282 = arith.constant 8 : i32
        %dma_wait3A_283 = arith.constant 0 : i32
        %dma_wait3A_284 = tpu.memref_slice %arg4[%add3A_277, %dma_wait3A_282, %dma_wait3A_283] : memref<1024x50x2048xf32, #tpu.memory_space<hbm>> -> memref<1x8x2048xf32, #tpu.memory_space<hbm>>
        %dma_wait3A_285 = tpu.memref_squeeze %dma_wait3A_284 : memref<1x8x2048xf32, #tpu.memory_space<hbm>> -> memref<8x2048xf32, #tpu.memory_space<hbm>>
        tpu.wait_dma2 semaphore(%arg21 : memref<!tpu.dma_semaphore, #tpu.memory_space<semaphore_mem>>) src(%arg7 : memref<8x2048xf32, #tpu.memory_space<vmem>>) dst(%dma_wait3A_285 : memref<8x2048xf32, #tpu.memory_space<hbm>>)
        %add3A_286 = arith.constant 1 : i32
        %add3A_287 = arith.addi %scan3A_125, %add3A_286 : i32
        %dma_start3A_288 = arith.constant 8 : i32
        %dma_start3A_289 = tpu.memref_slice %arg5[%add3A_287, %dma_start3A_288] : memref<32x56xi32, #tpu.memory_space<vmem>> -> memref<1x8xi32, #tpu.memory_space<vmem>>
        %dma_start3A_290 = tpu.memref_squeeze %dma_start3A_289 : memref<1x8xi32, #tpu.memory_space<vmem>> -> memref<8xi32, #tpu.memory_space<vmem>>
        %dma_start3A_291 = arith.constant 0 : i32
        %dma_start3A_292 = arith.constant 0 : i32
        %dma_start3A_293 = tpu.memref_slice %arg2[%dma_start3A_291, %dma_start3A_292] : memref<130x2048xf32, #tpu.memory_space<hbm>> -> memref<130x2048xf32, #tpu.memory_space<hbm>>
        tpu.enqueue_indirect_dma source(%dma_start3A_293 : memref<130x2048xf32, #tpu.memory_space<hbm>>) target(%arg7 : memref<8x2048xf32, #tpu.memory_space<vmem>>) offsets(%dma_start3A_290 : memref<8xi32, #tpu.memory_space<vmem>>) semaphore(%arg14 : memref<!tpu.dma_semaphore, #tpu.memory_space<semaphore_mem>>)
      } else {
      }
      %dma_wait3A_167 = arith.constant 16 : i32
      %dma_wait3A_168 = tpu.memref_slice %arg5[%scan3A_125, %dma_wait3A_167] : memref<32x56xi32, #tpu.memory_space<vmem>> -> memref<1x8xi32, #tpu.memory_space<vmem>>
      %dma_wait3A_169 = tpu.memref_squeeze %dma_wait3A_168 : memref<1x8xi32, #tpu.memory_space<vmem>> -> memref<8xi32, #tpu.memory_space<vmem>>
      %dma_wait3A_170 = arith.constant 0 : i32
      %dma_wait3A_171 = arith.constant 0 : i32
      %dma_wait3A_172 = tpu.memref_slice %arg2[%dma_wait3A_170, %dma_wait3A_171] : memref<130x2048xf32, #tpu.memory_space<hbm>> -> memref<130x2048xf32, #tpu.memory_space<hbm>>
      tpu.wait_indirect_dma semaphore(%arg15 : memref<!tpu.dma_semaphore, #tpu.memory_space<semaphore_mem>>) src(%dma_wait3A_172 : memref<130x2048xf32, #tpu.memory_space<hbm>>) dst(%arg8 : memref<8x2048xf32, #tpu.memory_space<vmem>>)
      %add3A_173 = arith.addi %mul3A_2, %scan3A_125 : i32
      %dma_start3A_174 = arith.constant 16 : i32
      %dma_start3A_175 = arith.constant 0 : i32
      %dma_start3A_176 = tpu.memref_slice %arg4[%add3A_173, %dma_start3A_174, %dma_start3A_175] : memref<1024x50x2048xf32, #tpu.memory_space<hbm>> -> memref<1x8x2048xf32, #tpu.memory_space<hbm>>
      %dma_start3A_177 = tpu.memref_squeeze %dma_start3A_176 : memref<1x8x2048xf32, #tpu.memory_space<hbm>> -> memref<8x2048xf32, #tpu.memory_space<hbm>>
      %dma_start3A_178 = arith.constant 16 : i32
      %dma_start3A_179 = arith.constant 0 : i32
      %dma_start3A_180 = tpu.memref_slice %arg4[%add3A_173, %dma_start3A_178, %dma_start3A_179] : memref<1024x50x2048xf32, #tpu.memory_space<hbm>> -> memref<1x8x2048xf32, #tpu.memory_space<hbm>>
      %dma_start3A_181 = tpu.memref_squeeze %dma_start3A_180 : memref<1x8x2048xf32, #tpu.memory_space<hbm>> -> memref<8x2048xf32, #tpu.memory_space<hbm>>
      tpu.enqueue_dma source(%arg8 : memref<8x2048xf32, #tpu.memory_space<vmem>>) target(%dma_start3A_181 : memref<8x2048xf32, #tpu.memory_space<hbm>>) target_semaphore(%arg22 : memref<!tpu.dma_semaphore, #tpu.memory_space<semaphore_mem>>)
      %add3A_182 = arith.constant 1 : i32
      %add3A_183 = arith.addi %scan3A_125, %add3A_182 : i32
      %lt3A_184 = arith.constant 32 : i32
      %lt3A_185 = arith.cmpi slt, %add3A_183, %lt3A_184 : i32
      %convert_element_type3A_186 = arith.extui %lt3A_185 : i1 to i32
      %cond3A_187 = arith.constant 0 : i32
      %cond3A_188 = arith.cmpi ne, %convert_element_type3A_186, %cond3A_187 : i32
      scf.if %cond3A_188 {
        %add3A_277 = arith.addi %mul3A_2, %scan3A_125 : i32
        %dma_wait3A_278 = arith.constant 16 : i32
        %dma_wait3A_279 = arith.constant 0 : i32
        %dma_wait3A_280 = tpu.memref_slice %arg4[%add3A_277, %dma_wait3A_278, %dma_wait3A_279] : memref<1024x50x2048xf32, #tpu.memory_space<hbm>> -> memref<1x8x2048xf32, #tpu.memory_space<hbm>>
        %dma_wait3A_281 = tpu.memref_squeeze %dma_wait3A_280 : memref<1x8x2048xf32, #tpu.memory_space<hbm>> -> memref<8x2048xf32, #tpu.memory_space<hbm>>
        %dma_wait3A_282 = arith.constant 16 : i32
        %dma_wait3A_283 = arith.constant 0 : i32
        %dma_wait3A_284 = tpu.memref_slice %arg4[%add3A_277, %dma_wait3A_282, %dma_wait3A_283] : memref<1024x50x2048xf32, #tpu.memory_space<hbm>> -> memref<1x8x2048xf32, #tpu.memory_space<hbm>>
        %dma_wait3A_285 = tpu.memref_squeeze %dma_wait3A_284 : memref<1x8x2048xf32, #tpu.memory_space<hbm>> -> memref<8x2048xf32, #tpu.memory_space<hbm>>
        tpu.wait_dma2 semaphore(%arg22 : memref<!tpu.dma_semaphore, #tpu.memory_space<semaphore_mem>>) src(%arg8 : memref<8x2048xf32, #tpu.memory_space<vmem>>) dst(%dma_wait3A_285 : memref<8x2048xf32, #tpu.memory_space<hbm>>)
        %add3A_286 = arith.constant 1 : i32
        %add3A_287 = arith.addi %scan3A_125, %add3A_286 : i32
        %dma_start3A_288 = arith.constant 16 : i32
        %dma_start3A_289 = tpu.memref_slice %arg5[%add3A_287, %dma_start3A_288] : memref<32x56xi32, #tpu.memory_space<vmem>> -> memref<1x8xi32, #tpu.memory_space<vmem>>
        %dma_start3A_290 = tpu.memref_squeeze %dma_start3A_289 : memref<1x8xi32, #tpu.memory_space<vmem>> -> memref<8xi32, #tpu.memory_space<vmem>>
        %dma_start3A_291 = arith.constant 0 : i32
        %dma_start3A_292 = arith.constant 0 : i32
        %dma_start3A_293 = tpu.memref_slice %arg2[%dma_start3A_291, %dma_start3A_292] : memref<130x2048xf32, #tpu.memory_space<hbm>> -> memref<130x2048xf32, #tpu.memory_space<hbm>>
        tpu.enqueue_indirect_dma source(%dma_start3A_293 : memref<130x2048xf32, #tpu.memory_space<hbm>>) target(%arg8 : memref<8x2048xf32, #tpu.memory_space<vmem>>) offsets(%dma_start3A_290 : memref<8xi32, #tpu.memory_space<vmem>>) semaphore(%arg15 : memref<!tpu.dma_semaphore, #tpu.memory_space<semaphore_mem>>)
      } else {
      }
      %dma_wait3A_189 = arith.constant 24 : i32
      %dma_wait3A_190 = tpu.memref_slice %arg5[%scan3A_125, %dma_wait3A_189] : memref<32x56xi32, #tpu.memory_space<vmem>> -> memref<1x8xi32, #tpu.memory_space<vmem>>
      %dma_wait3A_191 = tpu.memref_squeeze %dma_wait3A_190 : memref<1x8xi32, #tpu.memory_space<vmem>> -> memref<8xi32, #tpu.memory_space<vmem>>
      %dma_wait3A_192 = arith.constant 0 : i32
      %dma_wait3A_193 = arith.constant 0 : i32
      %dma_wait3A_194 = tpu.memref_slice %arg2[%dma_wait3A_192, %dma_wait3A_193] : memref<130x2048xf32, #tpu.memory_space<hbm>> -> memref<130x2048xf32, #tpu.memory_space<hbm>>
      tpu.wait_indirect_dma semaphore(%arg16 : memref<!tpu.dma_semaphore, #tpu.memory_space<semaphore_mem>>) src(%dma_wait3A_194 : memref<130x2048xf32, #tpu.memory_space<hbm>>) dst(%arg9 : memref<8x2048xf32, #tpu.memory_space<vmem>>)
      %add3A_195 = arith.addi %mul3A_2, %scan3A_125 : i32
      %dma_start3A_196 = arith.constant 24 : i32
      %dma_start3A_197 = arith.constant 0 : i32
      %dma_start3A_198 = tpu.memref_slice %arg4[%add3A_195, %dma_start3A_196, %dma_start3A_197] : memref<1024x50x2048xf32, #tpu.memory_space<hbm>> -> memref<1x8x2048xf32, #tpu.memory_space<hbm>>
      %dma_start3A_199 = tpu.memref_squeeze %dma_start3A_198 : memref<1x8x2048xf32, #tpu.memory_space<hbm>> -> memref<8x2048xf32, #tpu.memory_space<hbm>>
      %dma_start3A_200 = arith.constant 24 : i32
      %dma_start3A_201 = arith.constant 0 : i32
      %dma_start3A_202 = tpu.memref_slice %arg4[%add3A_195, %dma_start3A_200, %dma_start3A_201] : memref<1024x50x2048xf32, #tpu.memory_space<hbm>> -> memref<1x8x2048xf32, #tpu.memory_space<hbm>>
      %dma_start3A_203 = tpu.memref_squeeze %dma_start3A_202 : memref<1x8x2048xf32, #tpu.memory_space<hbm>> -> memref<8x2048xf32, #tpu.memory_space<hbm>>
      tpu.enqueue_dma source(%arg9 : memref<8x2048xf32, #tpu.memory_space<vmem>>) target(%dma_start3A_203 : memref<8x2048xf32, #tpu.memory_space<hbm>>) target_semaphore(%arg23 : memref<!tpu.dma_semaphore, #tpu.memory_space<semaphore_mem>>)
      %add3A_204 = arith.constant 1 : i32
      %add3A_205 = arith.addi %scan3A_125, %add3A_204 : i32
      %lt3A_206 = arith.constant 32 : i32
      %lt3A_207 = arith.cmpi slt, %add3A_205, %lt3A_206 : i32
      %convert_element_type3A_208 = arith.extui %lt3A_207 : i1 to i32
      %cond3A_209 = arith.constant 0 : i32
      %cond3A_210 = arith.cmpi ne, %convert_element_type3A_208, %cond3A_209 : i32
      scf.if %cond3A_210 {
        %add3A_277 = arith.addi %mul3A_2, %scan3A_125 : i32
        %dma_wait3A_278 = arith.constant 24 : i32
        %dma_wait3A_279 = arith.constant 0 : i32
        %dma_wait3A_280 = tpu.memref_slice %arg4[%add3A_277, %dma_wait3A_278, %dma_wait3A_279] : memref<1024x50x2048xf32, #tpu.memory_space<hbm>> -> memref<1x8x2048xf32, #tpu.memory_space<hbm>>
        %dma_wait3A_281 = tpu.memref_squeeze %dma_wait3A_280 : memref<1x8x2048xf32, #tpu.memory_space<hbm>> -> memref<8x2048xf32, #tpu.memory_space<hbm>>
        %dma_wait3A_282 = arith.constant 24 : i32
        %dma_wait3A_283 = arith.constant 0 : i32
        %dma_wait3A_284 = tpu.memref_slice %arg4[%add3A_277, %dma_wait3A_282, %dma_wait3A_283] : memref<1024x50x2048xf32, #tpu.memory_space<hbm>> -> memref<1x8x2048xf32, #tpu.memory_space<hbm>>
        %dma_wait3A_285 = tpu.memref_squeeze %dma_wait3A_284 : memref<1x8x2048xf32, #tpu.memory_space<hbm>> -> memref<8x2048xf32, #tpu.memory_space<hbm>>
        tpu.wait_dma2 semaphore(%arg23 : memref<!tpu.dma_semaphore, #tpu.memory_space<semaphore_mem>>) src(%arg9 : memref<8x2048xf32, #tpu.memory_space<vmem>>) dst(%dma_wait3A_285 : memref<8x2048xf32, #tpu.memory_space<hbm>>)
        %add3A_286 = arith.constant 1 : i32
        %add3A_287 = arith.addi %scan3A_125, %add3A_286 : i32
        %dma_start3A_288 = arith.constant 24 : i32
        %dma_start3A_289 = tpu.memref_slice %arg5[%add3A_287, %dma_start3A_288] : memref<32x56xi32, #tpu.memory_space<vmem>> -> memref<1x8xi32, #tpu.memory_space<vmem>>
        %dma_start3A_290 = tpu.memref_squeeze %dma_start3A_289 : memref<1x8xi32, #tpu.memory_space<vmem>> -> memref<8xi32, #tpu.memory_space<vmem>>
        %dma_start3A_291 = arith.constant 0 : i32
        %dma_start3A_292 = arith.constant 0 : i32
        %dma_start3A_293 = tpu.memref_slice %arg2[%dma_start3A_291, %dma_start3A_292] : memref<130x2048xf32, #tpu.memory_space<hbm>> -> memref<130x2048xf32, #tpu.memory_space<hbm>>
        tpu.enqueue_indirect_dma source(%dma_start3A_293 : memref<130x2048xf32, #tpu.memory_space<hbm>>) target(%arg9 : memref<8x2048xf32, #tpu.memory_space<vmem>>) offsets(%dma_start3A_290 : memref<8xi32, #tpu.memory_space<vmem>>) semaphore(%arg16 : memref<!tpu.dma_semaphore, #tpu.memory_space<semaphore_mem>>)
      } else {
      }
      %dma_wait3A_211 = arith.constant 32 : i32
      %dma_wait3A_212 = tpu.memref_slice %arg5[%scan3A_125, %dma_wait3A_211] : memref<32x56xi32, #tpu.memory_space<vmem>> -> memref<1x8xi32, #tpu.memory_space<vmem>>
      %dma_wait3A_213 = tpu.memref_squeeze %dma_wait3A_212 : memref<1x8xi32, #tpu.memory_space<vmem>> -> memref<8xi32, #tpu.memory_space<vmem>>
      %dma_wait3A_214 = arith.constant 0 : i32
      %dma_wait3A_215 = arith.constant 0 : i32
      %dma_wait3A_216 = tpu.memref_slice %arg2[%dma_wait3A_214, %dma_wait3A_215] : memref<130x2048xf32, #tpu.memory_space<hbm>> -> memref<130x2048xf32, #tpu.memory_space<hbm>>
      tpu.wait_indirect_dma semaphore(%arg17 : memref<!tpu.dma_semaphore, #tpu.memory_space<semaphore_mem>>) src(%dma_wait3A_216 : memref<130x2048xf32, #tpu.memory_space<hbm>>) dst(%arg10 : memref<8x2048xf32, #tpu.memory_space<vmem>>)
      %add3A_217 = arith.addi %mul3A_2, %scan3A_125 : i32
      %dma_start3A_218 = arith.constant 32 : i32
      %dma_start3A_219 = arith.constant 0 : i32
      %dma_start3A_220 = tpu.memref_slice %arg4[%add3A_217, %dma_start3A_218, %dma_start3A_219] : memref<1024x50x2048xf32, #tpu.memory_space<hbm>> -> memref<1x8x2048xf32, #tpu.memory_space<hbm>>
      %dma_start3A_221 = tpu.memref_squeeze %dma_start3A_220 : memref<1x8x2048xf32, #tpu.memory_space<hbm>> -> memref<8x2048xf32, #tpu.memory_space<hbm>>
      %dma_start3A_222 = arith.constant 32 : i32
      %dma_start3A_223 = arith.constant 0 : i32
      %dma_start3A_224 = tpu.memref_slice %arg4[%add3A_217, %dma_start3A_222, %dma_start3A_223] : memref<1024x50x2048xf32, #tpu.memory_space<hbm>> -> memref<1x8x2048xf32, #tpu.memory_space<hbm>>
      %dma_start3A_225 = tpu.memref_squeeze %dma_start3A_224 : memref<1x8x2048xf32, #tpu.memory_space<hbm>> -> memref<8x2048xf32, #tpu.memory_space<hbm>>
      tpu.enqueue_dma source(%arg10 : memref<8x2048xf32, #tpu.memory_space<vmem>>) target(%dma_start3A_225 : memref<8x2048xf32, #tpu.memory_space<hbm>>) target_semaphore(%arg24 : memref<!tpu.dma_semaphore, #tpu.memory_space<semaphore_mem>>)
      %add3A_226 = arith.constant 1 : i32
      %add3A_227 = arith.addi %scan3A_125, %add3A_226 : i32
      %lt3A_228 = arith.constant 32 : i32
      %lt3A_229 = arith.cmpi slt, %add3A_227, %lt3A_228 : i32
      %convert_element_type3A_230 = arith.extui %lt3A_229 : i1 to i32
      %cond3A_231 = arith.constant 0 : i32
      %cond3A_232 = arith.cmpi ne, %convert_element_type3A_230, %cond3A_231 : i32
      scf.if %cond3A_232 {
        %add3A_277 = arith.addi %mul3A_2, %scan3A_125 : i32
        %dma_wait3A_278 = arith.constant 32 : i32
        %dma_wait3A_279 = arith.constant 0 : i32
        %dma_wait3A_280 = tpu.memref_slice %arg4[%add3A_277, %dma_wait3A_278, %dma_wait3A_279] : memref<1024x50x2048xf32, #tpu.memory_space<hbm>> -> memref<1x8x2048xf32, #tpu.memory_space<hbm>>
        %dma_wait3A_281 = tpu.memref_squeeze %dma_wait3A_280 : memref<1x8x2048xf32, #tpu.memory_space<hbm>> -> memref<8x2048xf32, #tpu.memory_space<hbm>>
        %dma_wait3A_282 = arith.constant 32 : i32
        %dma_wait3A_283 = arith.constant 0 : i32
        %dma_wait3A_284 = tpu.memref_slice %arg4[%add3A_277, %dma_wait3A_282, %dma_wait3A_283] : memref<1024x50x2048xf32, #tpu.memory_space<hbm>> -> memref<1x8x2048xf32, #tpu.memory_space<hbm>>
        %dma_wait3A_285 = tpu.memref_squeeze %dma_wait3A_284 : memref<1x8x2048xf32, #tpu.memory_space<hbm>> -> memref<8x2048xf32, #tpu.memory_space<hbm>>
        tpu.wait_dma2 semaphore(%arg24 : memref<!tpu.dma_semaphore, #tpu.memory_space<semaphore_mem>>) src(%arg10 : memref<8x2048xf32, #tpu.memory_space<vmem>>) dst(%dma_wait3A_285 : memref<8x2048xf32, #tpu.memory_space<hbm>>)
        %add3A_286 = arith.constant 1 : i32
        %add3A_287 = arith.addi %scan3A_125, %add3A_286 : i32
        %dma_start3A_288 = arith.constant 32 : i32
        %dma_start3A_289 = tpu.memref_slice %arg5[%add3A_287, %dma_start3A_288] : memref<32x56xi32, #tpu.memory_space<vmem>> -> memref<1x8xi32, #tpu.memory_space<vmem>>
        %dma_start3A_290 = tpu.memref_squeeze %dma_start3A_289 : memref<1x8xi32, #tpu.memory_space<vmem>> -> memref<8xi32, #tpu.memory_space<vmem>>
        %dma_start3A_291 = arith.constant 0 : i32
        %dma_start3A_292 = arith.constant 0 : i32
        %dma_start3A_293 = tpu.memref_slice %arg2[%dma_start3A_291, %dma_start3A_292] : memref<130x2048xf32, #tpu.memory_space<hbm>> -> memref<130x2048xf32, #tpu.memory_space<hbm>>
        tpu.enqueue_indirect_dma source(%dma_start3A_293 : memref<130x2048xf32, #tpu.memory_space<hbm>>) target(%arg10 : memref<8x2048xf32, #tpu.memory_space<vmem>>) offsets(%dma_start3A_290 : memref<8xi32, #tpu.memory_space<vmem>>) semaphore(%arg17 : memref<!tpu.dma_semaphore, #tpu.memory_space<semaphore_mem>>)
      } else {
      }
      %dma_wait3A_233 = arith.constant 40 : i32
      %dma_wait3A_234 = tpu.memref_slice %arg5[%scan3A_125, %dma_wait3A_233] : memref<32x56xi32, #tpu.memory_space<vmem>> -> memref<1x8xi32, #tpu.memory_space<vmem>>
      %dma_wait3A_235 = tpu.memref_squeeze %dma_wait3A_234 : memref<1x8xi32, #tpu.memory_space<vmem>> -> memref<8xi32, #tpu.memory_space<vmem>>
      %dma_wait3A_236 = arith.constant 0 : i32
      %dma_wait3A_237 = arith.constant 0 : i32
      %dma_wait3A_238 = tpu.memref_slice %arg2[%dma_wait3A_236, %dma_wait3A_237] : memref<130x2048xf32, #tpu.memory_space<hbm>> -> memref<130x2048xf32, #tpu.memory_space<hbm>>
      tpu.wait_indirect_dma semaphore(%arg18 : memref<!tpu.dma_semaphore, #tpu.memory_space<semaphore_mem>>) src(%dma_wait3A_238 : memref<130x2048xf32, #tpu.memory_space<hbm>>) dst(%arg11 : memref<8x2048xf32, #tpu.memory_space<vmem>>)
      %add3A_239 = arith.addi %mul3A_2, %scan3A_125 : i32
      %dma_start3A_240 = arith.constant 40 : i32
      %dma_start3A_241 = arith.constant 0 : i32
      %dma_start3A_242 = tpu.memref_slice %arg4[%add3A_239, %dma_start3A_240, %dma_start3A_241] : memref<1024x50x2048xf32, #tpu.memory_space<hbm>> -> memref<1x8x2048xf32, #tpu.memory_space<hbm>>
      %dma_start3A_243 = tpu.memref_squeeze %dma_start3A_242 : memref<1x8x2048xf32, #tpu.memory_space<hbm>> -> memref<8x2048xf32, #tpu.memory_space<hbm>>
      %dma_start3A_244 = arith.constant 40 : i32
      %dma_start3A_245 = arith.constant 0 : i32
      %dma_start3A_246 = tpu.memref_slice %arg4[%add3A_239, %dma_start3A_244, %dma_start3A_245] : memref<1024x50x2048xf32, #tpu.memory_space<hbm>> -> memref<1x8x2048xf32, #tpu.memory_space<hbm>>
      %dma_start3A_247 = tpu.memref_squeeze %dma_start3A_246 : memref<1x8x2048xf32, #tpu.memory_space<hbm>> -> memref<8x2048xf32, #tpu.memory_space<hbm>>
      tpu.enqueue_dma source(%arg11 : memref<8x2048xf32, #tpu.memory_space<vmem>>) target(%dma_start3A_247 : memref<8x2048xf32, #tpu.memory_space<hbm>>) target_semaphore(%arg25 : memref<!tpu.dma_semaphore, #tpu.memory_space<semaphore_mem>>)
      %add3A_248 = arith.constant 1 : i32
      %add3A_249 = arith.addi %scan3A_125, %add3A_248 : i32
      %lt3A_250 = arith.constant 32 : i32
      %lt3A_251 = arith.cmpi slt, %add3A_249, %lt3A_250 : i32
      %convert_element_type3A_252 = arith.extui %lt3A_251 : i1 to i32
      %cond3A_253 = arith.constant 0 : i32
      %cond3A_254 = arith.cmpi ne, %convert_element_type3A_252, %cond3A_253 : i32
      scf.if %cond3A_254 {
        %add3A_277 = arith.addi %mul3A_2, %scan3A_125 : i32
        %dma_wait3A_278 = arith.constant 40 : i32
        %dma_wait3A_279 = arith.constant 0 : i32
        %dma_wait3A_280 = tpu.memref_slice %arg4[%add3A_277, %dma_wait3A_278, %dma_wait3A_279] : memref<1024x50x2048xf32, #tpu.memory_space<hbm>> -> memref<1x8x2048xf32, #tpu.memory_space<hbm>>
        %dma_wait3A_281 = tpu.memref_squeeze %dma_wait3A_280 : memref<1x8x2048xf32, #tpu.memory_space<hbm>> -> memref<8x2048xf32, #tpu.memory_space<hbm>>
        %dma_wait3A_282 = arith.constant 40 : i32
        %dma_wait3A_283 = arith.constant 0 : i32
        %dma_wait3A_284 = tpu.memref_slice %arg4[%add3A_277, %dma_wait3A_282, %dma_wait3A_283] : memref<1024x50x2048xf32, #tpu.memory_space<hbm>> -> memref<1x8x2048xf32, #tpu.memory_space<hbm>>
        %dma_wait3A_285 = tpu.memref_squeeze %dma_wait3A_284 : memref<1x8x2048xf32, #tpu.memory_space<hbm>> -> memref<8x2048xf32, #tpu.memory_space<hbm>>
        tpu.wait_dma2 semaphore(%arg25 : memref<!tpu.dma_semaphore, #tpu.memory_space<semaphore_mem>>) src(%arg11 : memref<8x2048xf32, #tpu.memory_space<vmem>>) dst(%dma_wait3A_285 : memref<8x2048xf32, #tpu.memory_space<hbm>>)
        %add3A_286 = arith.constant 1 : i32
        %add3A_287 = arith.addi %scan3A_125, %add3A_286 : i32
        %dma_start3A_288 = arith.constant 40 : i32
        %dma_start3A_289 = tpu.memref_slice %arg5[%add3A_287, %dma_start3A_288] : memref<32x56xi32, #tpu.memory_space<vmem>> -> memref<1x8xi32, #tpu.memory_space<vmem>>
        %dma_start3A_290 = tpu.memref_squeeze %dma_start3A_289 : memref<1x8xi32, #tpu.memory_space<vmem>> -> memref<8xi32, #tpu.memory_space<vmem>>
        %dma_start3A_291 = arith.constant 0 : i32
        %dma_start3A_292 = arith.constant 0 : i32
        %dma_start3A_293 = tpu.memref_slice %arg2[%dma_start3A_291, %dma_start3A_292] : memref<130x2048xf32, #tpu.memory_space<hbm>> -> memref<130x2048xf32, #tpu.memory_space<hbm>>
        tpu.enqueue_indirect_dma source(%dma_start3A_293 : memref<130x2048xf32, #tpu.memory_space<hbm>>) target(%arg11 : memref<8x2048xf32, #tpu.memory_space<vmem>>) offsets(%dma_start3A_290 : memref<8xi32, #tpu.memory_space<vmem>>) semaphore(%arg18 : memref<!tpu.dma_semaphore, #tpu.memory_space<semaphore_mem>>)
      } else {
      }
      %dma_wait3A_255 = arith.constant 48 : i32
      %dma_wait3A_256 = tpu.memref_slice %arg5[%scan3A_125, %dma_wait3A_255] : memref<32x56xi32, #tpu.memory_space<vmem>> -> memref<1x8xi32, #tpu.memory_space<vmem>>
      %dma_wait3A_257 = tpu.memref_squeeze %dma_wait3A_256 : memref<1x8xi32, #tpu.memory_space<vmem>> -> memref<8xi32, #tpu.memory_space<vmem>>
      %dma_wait3A_258 = arith.constant 0 : i32
      %dma_wait3A_259 = arith.constant 0 : i32
      %dma_wait3A_260 = tpu.memref_slice %arg2[%dma_wait3A_258, %dma_wait3A_259] : memref<130x2048xf32, #tpu.memory_space<hbm>> -> memref<130x2048xf32, #tpu.memory_space<hbm>>
      tpu.wait_indirect_dma semaphore(%arg19 : memref<!tpu.dma_semaphore, #tpu.memory_space<semaphore_mem>>) src(%dma_wait3A_260 : memref<130x2048xf32, #tpu.memory_space<hbm>>) dst(%arg12 : memref<8x2048xf32, #tpu.memory_space<vmem>>)
      %add3A_261 = arith.addi %mul3A_2, %scan3A_125 : i32
      %dma_start3A_262 = arith.constant 48 : i32
      %dma_start3A_263 = arith.constant 0 : i32
      %dma_start3A_264 = tpu.memref_slice %arg4[%add3A_261, %dma_start3A_262, %dma_start3A_263] : memref<1024x50x2048xf32, #tpu.memory_space<hbm>> -> memref<1x8x2048xf32, #tpu.memory_space<hbm>>
      %dma_start3A_265 = tpu.memref_squeeze %dma_start3A_264 : memref<1x8x2048xf32, #tpu.memory_space<hbm>> -> memref<8x2048xf32, #tpu.memory_space<hbm>>
      %dma_start3A_266 = arith.constant 48 : i32
      %dma_start3A_267 = arith.constant 0 : i32
      %dma_start3A_268 = tpu.memref_slice %arg4[%add3A_261, %dma_start3A_266, %dma_start3A_267] : memref<1024x50x2048xf32, #tpu.memory_space<hbm>> -> memref<1x8x2048xf32, #tpu.memory_space<hbm>>
      %dma_start3A_269 = tpu.memref_squeeze %dma_start3A_268 : memref<1x8x2048xf32, #tpu.memory_space<hbm>> -> memref<8x2048xf32, #tpu.memory_space<hbm>>
      tpu.enqueue_dma source(%arg12 : memref<8x2048xf32, #tpu.memory_space<vmem>>) target(%dma_start3A_269 : memref<8x2048xf32, #tpu.memory_space<hbm>>) target_semaphore(%arg26 : memref<!tpu.dma_semaphore, #tpu.memory_space<semaphore_mem>>)
      %add3A_270 = arith.constant 1 : i32
      %add3A_271 = arith.addi %scan3A_125, %add3A_270 : i32
      %lt3A_272 = arith.constant 32 : i32
      %lt3A_273 = arith.cmpi slt, %add3A_271, %lt3A_272 : i32
      %convert_element_type3A_274 = arith.extui %lt3A_273 : i1 to i32
      %cond3A_275 = arith.constant 0 : i32
      %cond3A_276 = arith.cmpi ne, %convert_element_type3A_274, %cond3A_275 : i32
      scf.if %cond3A_276 {
        %add3A_277 = arith.addi %mul3A_2, %scan3A_125 : i32
        %dma_wait3A_278 = arith.constant 48 : i32
        %dma_wait3A_279 = arith.constant 0 : i32
        %dma_wait3A_280 = tpu.memref_slice %arg4[%add3A_277, %dma_wait3A_278, %dma_wait3A_279] : memref<1024x50x2048xf32, #tpu.memory_space<hbm>> -> memref<1x8x2048xf32, #tpu.memory_space<hbm>>
        %dma_wait3A_281 = tpu.memref_squeeze %dma_wait3A_280 : memref<1x8x2048xf32, #tpu.memory_space<hbm>> -> memref<8x2048xf32, #tpu.memory_space<hbm>>
        %dma_wait3A_282 = arith.constant 48 : i32
        %dma_wait3A_283 = arith.constant 0 : i32
        %dma_wait3A_284 = tpu.memref_slice %arg4[%add3A_277, %dma_wait3A_282, %dma_wait3A_283] : memref<1024x50x2048xf32, #tpu.memory_space<hbm>> -> memref<1x8x2048xf32, #tpu.memory_space<hbm>>
        %dma_wait3A_285 = tpu.memref_squeeze %dma_wait3A_284 : memref<1x8x2048xf32, #tpu.memory_space<hbm>> -> memref<8x2048xf32, #tpu.memory_space<hbm>>
        tpu.wait_dma2 semaphore(%arg26 : memref<!tpu.dma_semaphore, #tpu.memory_space<semaphore_mem>>) src(%arg12 : memref<8x2048xf32, #tpu.memory_space<vmem>>) dst(%dma_wait3A_285 : memref<8x2048xf32, #tpu.memory_space<hbm>>)
        %add3A_286 = arith.constant 1 : i32
        %add3A_287 = arith.addi %scan3A_125, %add3A_286 : i32
        %dma_start3A_288 = arith.constant 48 : i32
        %dma_start3A_289 = tpu.memref_slice %arg5[%add3A_287, %dma_start3A_288] : memref<32x56xi32, #tpu.memory_space<vmem>> -> memref<1x8xi32, #tpu.memory_space<vmem>>
        %dma_start3A_290 = tpu.memref_squeeze %dma_start3A_289 : memref<1x8xi32, #tpu.memory_space<vmem>> -> memref<8xi32, #tpu.memory_space<vmem>>
        %dma_start3A_291 = arith.constant 0 : i32
        %dma_start3A_292 = arith.constant 0 : i32
        %dma_start3A_293 = tpu.memref_slice %arg2[%dma_start3A_291, %dma_start3A_292] : memref<130x2048xf32, #tpu.memory_space<hbm>> -> memref<130x2048xf32, #tpu.memory_space<hbm>>
        tpu.enqueue_indirect_dma source(%dma_start3A_293 : memref<130x2048xf32, #tpu.memory_space<hbm>>) target(%arg12 : memref<8x2048xf32, #tpu.memory_space<vmem>>) offsets(%dma_start3A_290 : memref<8xi32, #tpu.memory_space<vmem>>) semaphore(%arg19 : memref<!tpu.dma_semaphore, #tpu.memory_space<semaphore_mem>>)
      } else {
      }
    }
    %scan3A_55 = arith.constant 32 : i32
    %add3A_56 = arith.constant 31 : i32
    %add3A_57 = arith.addi %mul3A_2, %add3A_56 : i32
    %dma_wait3A = arith.constant 0 : i32
    %dma_wait3A_58 = arith.constant 0 : i32
    %dma_wait3A_59 = tpu.memref_slice %arg4[%add3A_57, %dma_wait3A, %dma_wait3A_58] : memref<1024x50x2048xf32, #tpu.memory_space<hbm>> -> memref<1x8x2048xf32, #tpu.memory_space<hbm>>
    %dma_wait3A_60 = tpu.memref_squeeze %dma_wait3A_59 : memref<1x8x2048xf32, #tpu.memory_space<hbm>> -> memref<8x2048xf32, #tpu.memory_space<hbm>>
    %dma_wait3A_61 = arith.constant 0 : i32
    %dma_wait3A_62 = arith.constant 0 : i32
    %dma_wait3A_63 = tpu.memref_slice %arg4[%add3A_57, %dma_wait3A_61, %dma_wait3A_62] : memref<1024x50x2048xf32, #tpu.memory_space<hbm>> -> memref<1x8x2048xf32, #tpu.memory_space<hbm>>
    %dma_wait3A_64 = tpu.memref_squeeze %dma_wait3A_63 : memref<1x8x2048xf32, #tpu.memory_space<hbm>> -> memref<8x2048xf32, #tpu.memory_space<hbm>>
    tpu.wait_dma2 semaphore(%arg20 : memref<!tpu.dma_semaphore, #tpu.memory_space<semaphore_mem>>) src(%arg6 : memref<8x2048xf32, #tpu.memory_space<vmem>>) dst(%dma_wait3A_64 : memref<8x2048xf32, #tpu.memory_space<hbm>>)
    %add3A_65 = arith.constant 31 : i32
    %add3A_66 = arith.addi %mul3A_2, %add3A_65 : i32
    %dma_wait3A_67 = arith.constant 8 : i32
    %dma_wait3A_68 = arith.constant 0 : i32
    %dma_wait3A_69 = tpu.memref_slice %arg4[%add3A_66, %dma_wait3A_67, %dma_wait3A_68] : memref<1024x50x2048xf32, #tpu.memory_space<hbm>> -> memref<1x8x2048xf32, #tpu.memory_space<hbm>>
    %dma_wait3A_70 = tpu.memref_squeeze %dma_wait3A_69 : memref<1x8x2048xf32, #tpu.memory_space<hbm>> -> memref<8x2048xf32, #tpu.memory_space<hbm>>
    %dma_wait3A_71 = arith.constant 8 : i32
    %dma_wait3A_72 = arith.constant 0 : i32
    %dma_wait3A_73 = tpu.memref_slice %arg4[%add3A_66, %dma_wait3A_71, %dma_wait3A_72] : memref<1024x50x2048xf32, #tpu.memory_space<hbm>> -> memref<1x8x2048xf32, #tpu.memory_space<hbm>>
    %dma_wait3A_74 = tpu.memref_squeeze %dma_wait3A_73 : memref<1x8x2048xf32, #tpu.memory_space<hbm>> -> memref<8x2048xf32, #tpu.memory_space<hbm>>
    tpu.wait_dma2 semaphore(%arg21 : memref<!tpu.dma_semaphore, #tpu.memory_space<semaphore_mem>>) src(%arg7 : memref<8x2048xf32, #tpu.memory_space<vmem>>) dst(%dma_wait3A_74 : memref<8x2048xf32, #tpu.memory_space<hbm>>)
    %add3A_75 = arith.constant 31 : i32
    %add3A_76 = arith.addi %mul3A_2, %add3A_75 : i32
    %dma_wait3A_77 = arith.constant 16 : i32
    %dma_wait3A_78 = arith.constant 0 : i32
    %dma_wait3A_79 = tpu.memref_slice %arg4[%add3A_76, %dma_wait3A_77, %dma_wait3A_78] : memref<1024x50x2048xf32, #tpu.memory_space<hbm>> -> memref<1x8x2048xf32, #tpu.memory_space<hbm>>
    %dma_wait3A_80 = tpu.memref_squeeze %dma_wait3A_79 : memref<1x8x2048xf32, #tpu.memory_space<hbm>> -> memref<8x2048xf32, #tpu.memory_space<hbm>>
    %dma_wait3A_81 = arith.constant 16 : i32
    %dma_wait3A_82 = arith.constant 0 : i32
    %dma_wait3A_83 = tpu.memref_slice %arg4[%add3A_76, %dma_wait3A_81, %dma_wait3A_82] : memref<1024x50x2048xf32, #tpu.memory_space<hbm>> -> memref<1x8x2048xf32, #tpu.memory_space<hbm>>
    %dma_wait3A_84 = tpu.memref_squeeze %dma_wait3A_83 : memref<1x8x2048xf32, #tpu.memory_space<hbm>> -> memref<8x2048xf32, #tpu.memory_space<hbm>>
    tpu.wait_dma2 semaphore(%arg22 : memref<!tpu.dma_semaphore, #tpu.memory_space<semaphore_mem>>) src(%arg8 : memref<8x2048xf32, #tpu.memory_space<vmem>>) dst(%dma_wait3A_84 : memref<8x2048xf32, #tpu.memory_space<hbm>>)
    %add3A_85 = arith.constant 31 : i32
    %add3A_86 = arith.addi %mul3A_2, %add3A_85 : i32
    %dma_wait3A_87 = arith.constant 24 : i32
    %dma_wait3A_88 = arith.constant 0 : i32
    %dma_wait3A_89 = tpu.memref_slice %arg4[%add3A_86, %dma_wait3A_87, %dma_wait3A_88] : memref<1024x50x2048xf32, #tpu.memory_space<hbm>> -> memref<1x8x2048xf32, #tpu.memory_space<hbm>>
    %dma_wait3A_90 = tpu.memref_squeeze %dma_wait3A_89 : memref<1x8x2048xf32, #tpu.memory_space<hbm>> -> memref<8x2048xf32, #tpu.memory_space<hbm>>
    %dma_wait3A_91 = arith.constant 24 : i32
    %dma_wait3A_92 = arith.constant 0 : i32
    %dma_wait3A_93 = tpu.memref_slice %arg4[%add3A_86, %dma_wait3A_91, %dma_wait3A_92] : memref<1024x50x2048xf32, #tpu.memory_space<hbm>> -> memref<1x8x2048xf32, #tpu.memory_space<hbm>>
    %dma_wait3A_94 = tpu.memref_squeeze %dma_wait3A_93 : memref<1x8x2048xf32, #tpu.memory_space<hbm>> -> memref<8x2048xf32, #tpu.memory_space<hbm>>
    tpu.wait_dma2 semaphore(%arg23 : memref<!tpu.dma_semaphore, #tpu.memory_space<semaphore_mem>>) src(%arg9 : memref<8x2048xf32, #tpu.memory_space<vmem>>) dst(%dma_wait3A_94 : memref<8x2048xf32, #tpu.memory_space<hbm>>)
    %add3A_95 = arith.constant 31 : i32
    %add3A_96 = arith.addi %mul3A_2, %add3A_95 : i32
    %dma_wait3A_97 = arith.constant 32 : i32
    %dma_wait3A_98 = arith.constant 0 : i32
    %dma_wait3A_99 = tpu.memref_slice %arg4[%add3A_96, %dma_wait3A_97, %dma_wait3A_98] : memref<1024x50x2048xf32, #tpu.memory_space<hbm>> -> memref<1x8x2048xf32, #tpu.memory_space<hbm>>
    %dma_wait3A_100 = tpu.memref_squeeze %dma_wait3A_99 : memref<1x8x2048xf32, #tpu.memory_space<hbm>> -> memref<8x2048xf32, #tpu.memory_space<hbm>>
    %dma_wait3A_101 = arith.constant 32 : i32
    %dma_wait3A_102 = arith.constant 0 : i32
    %dma_wait3A_103 = tpu.memref_slice %arg4[%add3A_96, %dma_wait3A_101, %dma_wait3A_102] : memref<1024x50x2048xf32, #tpu.memory_space<hbm>> -> memref<1x8x2048xf32, #tpu.memory_space<hbm>>
    %dma_wait3A_104 = tpu.memref_squeeze %dma_wait3A_103 : memref<1x8x2048xf32, #tpu.memory_space<hbm>> -> memref<8x2048xf32, #tpu.memory_space<hbm>>
    tpu.wait_dma2 semaphore(%arg24 : memref<!tpu.dma_semaphore, #tpu.memory_space<semaphore_mem>>) src(%arg10 : memref<8x2048xf32, #tpu.memory_space<vmem>>) dst(%dma_wait3A_104 : memref<8x2048xf32, #tpu.memory_space<hbm>>)
    %add3A_105 = arith.constant 31 : i32
    %add3A_106 = arith.addi %mul3A_2, %add3A_105 : i32
    %dma_wait3A_107 = arith.constant 40 : i32
    %dma_wait3A_108 = arith.constant 0 : i32
    %dma_wait3A_109 = tpu.memref_slice %arg4[%add3A_106, %dma_wait3A_107, %dma_wait3A_108] : memref<1024x50x2048xf32, #tpu.memory_space<hbm>> -> memref<1x8x2048xf32, #tpu.memory_space<hbm>>
    %dma_wait3A_110 = tpu.memref_squeeze %dma_wait3A_109 : memref<1x8x2048xf32, #tpu.memory_space<hbm>> -> memref<8x2048xf32, #tpu.memory_space<hbm>>
    %dma_wait3A_111 = arith.constant 40 : i32
    %dma_wait3A_112 = arith.constant 0 : i32
    %dma_wait3A_113 = tpu.memref_slice %arg4[%add3A_106, %dma_wait3A_111, %dma_wait3A_112] : memref<1024x50x2048xf32, #tpu.memory_space<hbm>> -> memref<1x8x2048xf32, #tpu.memory_space<hbm>>
    %dma_wait3A_114 = tpu.memref_squeeze %dma_wait3A_113 : memref<1x8x2048xf32, #tpu.memory_space<hbm>> -> memref<8x2048xf32, #tpu.memory_space<hbm>>
    tpu.wait_dma2 semaphore(%arg25 : memref<!tpu.dma_semaphore, #tpu.memory_space<semaphore_mem>>) src(%arg11 : memref<8x2048xf32, #tpu.memory_space<vmem>>) dst(%dma_wait3A_114 : memref<8x2048xf32, #tpu.memory_space<hbm>>)
    %add3A_115 = arith.constant 31 : i32
    %add3A_116 = arith.addi %mul3A_2, %add3A_115 : i32
    %dma_wait3A_117 = arith.constant 48 : i32
    %dma_wait3A_118 = arith.constant 0 : i32
    %dma_wait3A_119 = tpu.memref_slice %arg4[%add3A_116, %dma_wait3A_117, %dma_wait3A_118] : memref<1024x50x2048xf32, #tpu.memory_space<hbm>> -> memref<1x8x2048xf32, #tpu.memory_space<hbm>>
    %dma_wait3A_120 = tpu.memref_squeeze %dma_wait3A_119 : memref<1x8x2048xf32, #tpu.memory_space<hbm>> -> memref<8x2048xf32, #tpu.memory_space<hbm>>
    %dma_wait3A_121 = arith.constant 48 : i32
    %dma_wait3A_122 = arith.constant 0 : i32
    %dma_wait3A_123 = tpu.memref_slice %arg4[%add3A_116, %dma_wait3A_121, %dma_wait3A_122] : memref<1024x50x2048xf32, #tpu.memory_space<hbm>> -> memref<1x8x2048xf32, #tpu.memory_space<hbm>>
    %dma_wait3A_124 = tpu.memref_squeeze %dma_wait3A_123 : memref<1x8x2048xf32, #tpu.memory_space<hbm>> -> memref<8x2048xf32, #tpu.memory_space<hbm>>
    tpu.wait_dma2 semaphore(%arg26 : memref<!tpu.dma_semaphore, #tpu.memory_space<semaphore_mem>>) src(%arg12 : memref<8x2048xf32, #tpu.memory_space<vmem>>) dst(%dma_wait3A_124 : memref<8x2048xf32, #tpu.memory_space<hbm>>)
    return
  }
}

module attributes {stable_mosaic.version = 14 : i64} {
  func.func @_tc_body(%arg0: i32, %arg1: memref<8x50xi32, #tpu.memory_space<vmem>>, %arg2: memref<130x2048xf32, #tpu.memory_space<vmem>>, %arg3: memref<8x50x2048xf32, #tpu.memory_space<vmem>>) attributes {dimension_semantics = [#tpu.dimension_semantics<arbitrary>], iteration_bounds = array<i64: 384>, scalar_prefetch = 0 : i64, scratch_operands = 0 : i64, tpu.core_type = #tpu.core_type<tc>, window_params = [{transform_indices = @transform_0, window_bounds = array<i64: 8, 50>}, {pipeline_mode = #tpu.pipeline_mode<synchronous>, transform_indices = @transform_1, window_bounds = array<i64: 130, 2048>}, {transform_indices = @transform_2, window_bounds = array<i64: 8, 50, 2048>}]} {
    %get3A = arith.constant 0 : index
    %get3A_0 = arith.constant 0 : index
    %get3A_1 = vector.load %arg2[%get3A, %get3A_0] : memref<130x2048xf32, #tpu.memory_space<vmem>>, vector<130x2048xf32>
    %convert_element_type3A = arith.truncf %get3A_1 : vector<130x2048xf32> to vector<130x2048xbf16>
    %iota3A = tpu.iota {dimensions = array<i32: 1>} : vector<1x130xi32>
    %get3A_2 = arith.constant 0 : index
    %get3A_3 = arith.constant 0 : index
    %get3A_4 = vector.load %arg1[%get3A_2, %get3A_3] : memref<8x50xi32, #tpu.memory_space<vmem>>, vector<1x50xi32>
    %get3A_5 = vector.shape_cast %get3A_4 : vector<1x50xi32> to vector<50xi32>
    %reshape3A = vector.shape_cast %get3A_5 : vector<50xi32> to vector<50x1xi32>
    %eq3A = vector.broadcast %reshape3A : vector<50x1xi32> to vector<50x130xi32>
    %eq3A_6 = vector.broadcast %iota3A : vector<1x130xi32> to vector<50x130xi32>
    %eq3A_7 = arith.cmpi eq, %eq3A, %eq3A_6 : vector<50x130xi32>
    %convert_element_type3A_8 = arith.extui %eq3A_7 : vector<50x130xi1> to vector<50x130xi32>
    %convert_element_type3A_9 = arith.sitofp %convert_element_type3A_8 : vector<50x130xi32> to vector<50x130xf32>
    %convert_element_type3A_10 = arith.truncf %convert_element_type3A_9 : vector<50x130xf32> to vector<50x130xbf16>
    %dot_general3A = arith.constant dense<0.000000e+00> : vector<50x2048xf32>
    %dot_general3A_11 = tpu.matmul %convert_element_type3A_10, %convert_element_type3A, %dot_general3A {dimension_numbers = #tpu.dot_dimension_numbers<[1], [0], [0], [1], [0, 0, 1, 1], [], []>, transpose_lhs_hint = false} : vector<50x130xbf16>, vector<130x2048xbf16>, vector<50x2048xf32> -> vector<50x2048xf32>
    %swap3A = arith.constant 0 : index
    %swap3A_12 = arith.constant 0 : index
    %swap3A_13 = arith.constant 0 : index
    %swap3A_14 = vector.load %arg3[%swap3A, %swap3A_12, %swap3A_13] : memref<8x50x2048xf32, #tpu.memory_space<vmem>>, vector<1x50x2048xf32>
    %swap3A_15 = vector.shape_cast %swap3A_14 : vector<1x50x2048xf32> to vector<50x2048xf32>
    %swap3A_16 = vector.shape_cast %dot_general3A_11 : vector<50x2048xf32> to vector<1x50x2048xf32>
    tpu.vector_store %arg3[%swap3A, %swap3A_12, %swap3A_13], %swap3A_16 {strides = array<i32>} : memref<8x50x2048xf32, #tpu.memory_space<vmem>>, vector<1x50x2048xf32>,
    %get3A_17 = arith.constant 1 : index
    %get3A_18 = arith.constant 0 : index
    %get3A_19 = vector.load %arg1[%get3A_17, %get3A_18] : memref<8x50xi32, #tpu.memory_space<vmem>>, vector<1x50xi32>
    %get3A_20 = vector.shape_cast %get3A_19 : vector<1x50xi32> to vector<50xi32>
    %reshape3A_21 = vector.shape_cast %get3A_20 : vector<50xi32> to vector<50x1xi32>
    %eq3A_22 = vector.broadcast %reshape3A_21 : vector<50x1xi32> to vector<50x130xi32>
    %eq3A_23 = vector.broadcast %iota3A : vector<1x130xi32> to vector<50x130xi32>
    %eq3A_24 = arith.cmpi eq, %eq3A_22, %eq3A_23 : vector<50x130xi32>
    %convert_element_type3A_25 = arith.extui %eq3A_24 : vector<50x130xi1> to vector<50x130xi32>
    %convert_element_type3A_26 = arith.sitofp %convert_element_type3A_25 : vector<50x130xi32> to vector<50x130xf32>
    %convert_element_type3A_27 = arith.truncf %convert_element_type3A_26 : vector<50x130xf32> to vector<50x130xbf16>
    %dot_general3A_28 = arith.constant dense<0.000000e+00> : vector<50x2048xf32>
    %dot_general3A_29 = tpu.matmul %convert_element_type3A_27, %convert_element_type3A, %dot_general3A_28 {dimension_numbers = #tpu.dot_dimension_numbers<[1], [0], [0], [1], [0, 0, 1, 1], [], []>, transpose_lhs_hint = false} : vector<50x130xbf16>, vector<130x2048xbf16>, vector<50x2048xf32> -> vector<50x2048xf32>
    %swap3A_30 = arith.constant 1 : index
    %swap3A_31 = arith.constant 0 : index
    %swap3A_32 = arith.constant 0 : index
    %swap3A_33 = vector.load %arg3[%swap3A_30, %swap3A_31, %swap3A_32] : memref<8x50x2048xf32, #tpu.memory_space<vmem>>, vector<1x50x2048xf32>
    %swap3A_34 = vector.shape_cast %swap3A_33 : vector<1x50x2048xf32> to vector<50x2048xf32>
    %swap3A_35 = vector.shape_cast %dot_general3A_29 : vector<50x2048xf32> to vector<1x50x2048xf32>
    tpu.vector_store %arg3[%swap3A_30, %swap3A_31, %swap3A_32], %swap3A_35 {strides = array<i32>} : memref<8x50x2048xf32, #tpu.memory_space<vmem>>, vector<1x50x2048xf32>,
    %get3A_36 = arith.constant 2 : index
    %get3A_37 = arith.constant 0 : index
    %get3A_38 = vector.load %arg1[%get3A_36, %get3A_37] : memref<8x50xi32, #tpu.memory_space<vmem>>, vector<1x50xi32>
    %get3A_39 = vector.shape_cast %get3A_38 : vector<1x50xi32> to vector<50xi32>
    %reshape3A_40 = vector.shape_cast %get3A_39 : vector<50xi32> to vector<50x1xi32>
    %eq3A_41 = vector.broadcast %reshape3A_40 : vector<50x1xi32> to vector<50x130xi32>
    %eq3A_42 = vector.broadcast %iota3A : vector<1x130xi32> to vector<50x130xi32>
    %eq3A_43 = arith.cmpi eq, %eq3A_41, %eq3A_42 : vector<50x130xi32>
    %convert_element_type3A_44 = arith.extui %eq3A_43 : vector<50x130xi1> to vector<50x130xi32>
    %convert_element_type3A_45 = arith.sitofp %convert_element_type3A_44 : vector<50x130xi32> to vector<50x130xf32>
    %convert_element_type3A_46 = arith.truncf %convert_element_type3A_45 : vector<50x130xf32> to vector<50x130xbf16>
    %dot_general3A_47 = arith.constant dense<0.000000e+00> : vector<50x2048xf32>
    %dot_general3A_48 = tpu.matmul %convert_element_type3A_46, %convert_element_type3A, %dot_general3A_47 {dimension_numbers = #tpu.dot_dimension_numbers<[1], [0], [0], [1], [0, 0, 1, 1], [], []>, transpose_lhs_hint = false} : vector<50x130xbf16>, vector<130x2048xbf16>, vector<50x2048xf32> -> vector<50x2048xf32>
    %swap3A_49 = arith.constant 2 : index
    %swap3A_50 = arith.constant 0 : index
    %swap3A_51 = arith.constant 0 : index
    %swap3A_52 = vector.load %arg3[%swap3A_49, %swap3A_50, %swap3A_51] : memref<8x50x2048xf32, #tpu.memory_space<vmem>>, vector<1x50x2048xf32>
    %swap3A_53 = vector.shape_cast %swap3A_52 : vector<1x50x2048xf32> to vector<50x2048xf32>
    %swap3A_54 = vector.shape_cast %dot_general3A_48 : vector<50x2048xf32> to vector<1x50x2048xf32>
    tpu.vector_store %arg3[%swap3A_49, %swap3A_50, %swap3A_51], %swap3A_54 {strides = array<i32>} : memref<8x50x2048xf32, #tpu.memory_space<vmem>>, vector<1x50x2048xf32>,
    %get3A_55 = arith.constant 3 : index
    %get3A_56 = arith.constant 0 : index
    %get3A_57 = vector.load %arg1[%get3A_55, %get3A_56] : memref<8x50xi32, #tpu.memory_space<vmem>>, vector<1x50xi32>
    %get3A_58 = vector.shape_cast %get3A_57 : vector<1x50xi32> to vector<50xi32>
    %reshape3A_59 = vector.shape_cast %get3A_58 : vector<50xi32> to vector<50x1xi32>
    %eq3A_60 = vector.broadcast %reshape3A_59 : vector<50x1xi32> to vector<50x130xi32>
    %eq3A_61 = vector.broadcast %iota3A : vector<1x130xi32> to vector<50x130xi32>
    %eq3A_62 = arith.cmpi eq, %eq3A_60, %eq3A_61 : vector<50x130xi32>
    %convert_element_type3A_63 = arith.extui %eq3A_62 : vector<50x130xi1> to vector<50x130xi32>
    %convert_element_type3A_64 = arith.sitofp %convert_element_type3A_63 : vector<50x130xi32> to vector<50x130xf32>
    %convert_element_type3A_65 = arith.truncf %convert_element_type3A_64 : vector<50x130xf32> to vector<50x130xbf16>
    %dot_general3A_66 = arith.constant dense<0.000000e+00> : vector<50x2048xf32>
    %dot_general3A_67 = tpu.matmul %convert_element_type3A_65, %convert_element_type3A, %dot_general3A_66 {dimension_numbers = #tpu.dot_dimension_numbers<[1], [0], [0], [1], [0, 0, 1, 1], [], []>, transpose_lhs_hint = false} : vector<50x130xbf16>, vector<130x2048xbf16>, vector<50x2048xf32> -> vector<50x2048xf32>
    %swap3A_68 = arith.constant 3 : index
    %swap3A_69 = arith.constant 0 : index
    %swap3A_70 = arith.constant 0 : index
    %swap3A_71 = vector.load %arg3[%swap3A_68, %swap3A_69, %swap3A_70] : memref<8x50x2048xf32, #tpu.memory_space<vmem>>, vector<1x50x2048xf32>
    %swap3A_72 = vector.shape_cast %swap3A_71 : vector<1x50x2048xf32> to vector<50x2048xf32>
    %swap3A_73 = vector.shape_cast %dot_general3A_67 : vector<50x2048xf32> to vector<1x50x2048xf32>
    tpu.vector_store %arg3[%swap3A_68, %swap3A_69, %swap3A_70], %swap3A_73 {strides = array<i32>} : memref<8x50x2048xf32, #tpu.memory_space<vmem>>, vector<1x50x2048xf32>,
    %get3A_74 = arith.constant 4 : index
    %get3A_75 = arith.constant 0 : index
    %get3A_76 = vector.load %arg1[%get3A_74, %get3A_75] : memref<8x50xi32, #tpu.memory_space<vmem>>, vector<1x50xi32>
    %get3A_77 = vector.shape_cast %get3A_76 : vector<1x50xi32> to vector<50xi32>
    %reshape3A_78 = vector.shape_cast %get3A_77 : vector<50xi32> to vector<50x1xi32>
    %eq3A_79 = vector.broadcast %reshape3A_78 : vector<50x1xi32> to vector<50x130xi32>
    %eq3A_80 = vector.broadcast %iota3A : vector<1x130xi32> to vector<50x130xi32>
    %eq3A_81 = arith.cmpi eq, %eq3A_79, %eq3A_80 : vector<50x130xi32>
    %convert_element_type3A_82 = arith.extui %eq3A_81 : vector<50x130xi1> to vector<50x130xi32>
    %convert_element_type3A_83 = arith.sitofp %convert_element_type3A_82 : vector<50x130xi32> to vector<50x130xf32>
    %convert_element_type3A_84 = arith.truncf %convert_element_type3A_83 : vector<50x130xf32> to vector<50x130xbf16>
    %dot_general3A_85 = arith.constant dense<0.000000e+00> : vector<50x2048xf32>
    %dot_general3A_86 = tpu.matmul %convert_element_type3A_84, %convert_element_type3A, %dot_general3A_85 {dimension_numbers = #tpu.dot_dimension_numbers<[1], [0], [0], [1], [0, 0, 1, 1], [], []>, transpose_lhs_hint = false} : vector<50x130xbf16>, vector<130x2048xbf16>, vector<50x2048xf32> -> vector<50x2048xf32>
    %swap3A_87 = arith.constant 4 : index
    %swap3A_88 = arith.constant 0 : index
    %swap3A_89 = arith.constant 0 : index
    %swap3A_90 = vector.load %arg3[%swap3A_87, %swap3A_88, %swap3A_89] : memref<8x50x2048xf32, #tpu.memory_space<vmem>>, vector<1x50x2048xf32>
    %swap3A_91 = vector.shape_cast %swap3A_90 : vector<1x50x2048xf32> to vector<50x2048xf32>
    %swap3A_92 = vector.shape_cast %dot_general3A_86 : vector<50x2048xf32> to vector<1x50x2048xf32>
    tpu.vector_store %arg3[%swap3A_87, %swap3A_88, %swap3A_89], %swap3A_92 {strides = array<i32>} : memref<8x50x2048xf32, #tpu.memory_space<vmem>>, vector<1x50x2048xf32>,
    %get3A_93 = arith.constant 5 : index
    %get3A_94 = arith.constant 0 : index
    %get3A_95 = vector.load %arg1[%get3A_93, %get3A_94] : memref<8x50xi32, #tpu.memory_space<vmem>>, vector<1x50xi32>
    %get3A_96 = vector.shape_cast %get3A_95 : vector<1x50xi32> to vector<50xi32>
    %reshape3A_97 = vector.shape_cast %get3A_96 : vector<50xi32> to vector<50x1xi32>
    %eq3A_98 = vector.broadcast %reshape3A_97 : vector<50x1xi32> to vector<50x130xi32>
    %eq3A_99 = vector.broadcast %iota3A : vector<1x130xi32> to vector<50x130xi32>
    %eq3A_100 = arith.cmpi eq, %eq3A_98, %eq3A_99 : vector<50x130xi32>
    %convert_element_type3A_101 = arith.extui %eq3A_100 : vector<50x130xi1> to vector<50x130xi32>
    %convert_element_type3A_102 = arith.sitofp %convert_element_type3A_101 : vector<50x130xi32> to vector<50x130xf32>
    %convert_element_type3A_103 = arith.truncf %convert_element_type3A_102 : vector<50x130xf32> to vector<50x130xbf16>
    %dot_general3A_104 = arith.constant dense<0.000000e+00> : vector<50x2048xf32>
    %dot_general3A_105 = tpu.matmul %convert_element_type3A_103, %convert_element_type3A, %dot_general3A_104 {dimension_numbers = #tpu.dot_dimension_numbers<[1], [0], [0], [1], [0, 0, 1, 1], [], []>, transpose_lhs_hint = false} : vector<50x130xbf16>, vector<130x2048xbf16>, vector<50x2048xf32> -> vector<50x2048xf32>
    %swap3A_106 = arith.constant 5 : index
    %swap3A_107 = arith.constant 0 : index
    %swap3A_108 = arith.constant 0 : index
    %swap3A_109 = vector.load %arg3[%swap3A_106, %swap3A_107, %swap3A_108] : memref<8x50x2048xf32, #tpu.memory_space<vmem>>, vector<1x50x2048xf32>
    %swap3A_110 = vector.shape_cast %swap3A_109 : vector<1x50x2048xf32> to vector<50x2048xf32>
    %swap3A_111 = vector.shape_cast %dot_general3A_105 : vector<50x2048xf32> to vector<1x50x2048xf32>
    tpu.vector_store %arg3[%swap3A_106, %swap3A_107, %swap3A_108], %swap3A_111 {strides = array<i32>} : memref<8x50x2048xf32, #tpu.memory_space<vmem>>, vector<1x50x2048xf32>,
    %get3A_112 = arith.constant 6 : index
    %get3A_113 = arith.constant 0 : index
    %get3A_114 = vector.load %arg1[%get3A_112, %get3A_113] : memref<8x50xi32, #tpu.memory_space<vmem>>, vector<1x50xi32>
    %get3A_115 = vector.shape_cast %get3A_114 : vector<1x50xi32> to vector<50xi32>
    %reshape3A_116 = vector.shape_cast %get3A_115 : vector<50xi32> to vector<50x1xi32>
    %eq3A_117 = vector.broadcast %reshape3A_116 : vector<50x1xi32> to vector<50x130xi32>
    %eq3A_118 = vector.broadcast %iota3A : vector<1x130xi32> to vector<50x130xi32>
    %eq3A_119 = arith.cmpi eq, %eq3A_117, %eq3A_118 : vector<50x130xi32>
    %convert_element_type3A_120 = arith.extui %eq3A_119 : vector<50x130xi1> to vector<50x130xi32>
    %convert_element_type3A_121 = arith.sitofp %convert_element_type3A_120 : vector<50x130xi32> to vector<50x130xf32>
    %convert_element_type3A_122 = arith.truncf %convert_element_type3A_121 : vector<50x130xf32> to vector<50x130xbf16>
    %dot_general3A_123 = arith.constant dense<0.000000e+00> : vector<50x2048xf32>
    %dot_general3A_124 = tpu.matmul %convert_element_type3A_122, %convert_element_type3A, %dot_general3A_123 {dimension_numbers = #tpu.dot_dimension_numbers<[1], [0], [0], [1], [0, 0, 1, 1], [], []>, transpose_lhs_hint = false} : vector<50x130xbf16>, vector<130x2048xbf16>, vector<50x2048xf32> -> vector<50x2048xf32>
    %swap3A_125 = arith.constant 6 : index
    %swap3A_126 = arith.constant 0 : index
    %swap3A_127 = arith.constant 0 : index
    %swap3A_128 = vector.load %arg3[%swap3A_125, %swap3A_126, %swap3A_127] : memref<8x50x2048xf32, #tpu.memory_space<vmem>>, vector<1x50x2048xf32>
    %swap3A_129 = vector.shape_cast %swap3A_128 : vector<1x50x2048xf32> to vector<50x2048xf32>
    %swap3A_130 = vector.shape_cast %dot_general3A_124 : vector<50x2048xf32> to vector<1x50x2048xf32>
    tpu.vector_store %arg3[%swap3A_125, %swap3A_126, %swap3A_127], %swap3A_130 {strides = array<i32>} : memref<8x50x2048xf32, #tpu.memory_space<vmem>>, vector<1x50x2048xf32>,
    %get3A_131 = arith.constant 7 : index
    %get3A_132 = arith.constant 0 : index
    %get3A_133 = vector.load %arg1[%get3A_131, %get3A_132] : memref<8x50xi32, #tpu.memory_space<vmem>>, vector<1x50xi32>
    %get3A_134 = vector.shape_cast %get3A_133 : vector<1x50xi32> to vector<50xi32>
    %reshape3A_135 = vector.shape_cast %get3A_134 : vector<50xi32> to vector<50x1xi32>
    %eq3A_136 = vector.broadcast %reshape3A_135 : vector<50x1xi32> to vector<50x130xi32>
    %eq3A_137 = vector.broadcast %iota3A : vector<1x130xi32> to vector<50x130xi32>
    %eq3A_138 = arith.cmpi eq, %eq3A_136, %eq3A_137 : vector<50x130xi32>
    %convert_element_type3A_139 = arith.extui %eq3A_138 : vector<50x130xi1> to vector<50x130xi32>
    %convert_element_type3A_140 = arith.sitofp %convert_element_type3A_139 : vector<50x130xi32> to vector<50x130xf32>
    %convert_element_type3A_141 = arith.truncf %convert_element_type3A_140 : vector<50x130xf32> to vector<50x130xbf16>
    %dot_general3A_142 = arith.constant dense<0.000000e+00> : vector<50x2048xf32>
    %dot_general3A_143 = tpu.matmul %convert_element_type3A_141, %convert_element_type3A, %dot_general3A_142 {dimension_numbers = #tpu.dot_dimension_numbers<[1], [0], [0], [1], [0, 0, 1, 1], [], []>, transpose_lhs_hint = false} : vector<50x130xbf16>, vector<130x2048xbf16>, vector<50x2048xf32> -> vector<50x2048xf32>
    %swap3A_144 = arith.constant 7 : index
    %swap3A_145 = arith.constant 0 : index
    %swap3A_146 = arith.constant 0 : index
    %swap3A_147 = vector.load %arg3[%swap3A_144, %swap3A_145, %swap3A_146] : memref<8x50x2048xf32, #tpu.memory_space<vmem>>, vector<1x50x2048xf32>
    %swap3A_148 = vector.shape_cast %swap3A_147 : vector<1x50x2048xf32> to vector<50x2048xf32>
    %swap3A_149 = vector.shape_cast %dot_general3A_143 : vector<50x2048xf32> to vector<1x50x2048xf32>
    tpu.vector_store %arg3[%swap3A_144, %swap3A_145, %swap3A_146], %swap3A_149 {strides = array<i32>} : memref<8x50x2048xf32, #tpu.memory_space<vmem>>, vector<1x50x2048xf32>,
    return
  }
  func.func @transform_0(%arg0: i32) -> (i32, i32) {
    %c0_i32 = arith.constant 0 : i32
    %c0_i32_0 = arith.constant 0 : i32
    return %arg0, %c0_i32 : i32, i32
  }
  func.func @transform_1(%arg0: i32) -> (i32, i32) {
    %c0_i32 = arith.constant 0 : i32
    %c0_i32_0 = arith.constant 0 : i32
    %c0_i32_1 = arith.constant 0 : i32
    return %c0_i32, %c0_i32_0 : i32, i32
  }
  func.func @transform_2(%arg0: i32) -> (i32, i32, i32) {
    %c0_i32 = arith.constant 0 : i32
    %c0_i32_0 = arith.constant 0 : i32
    %c0_i32_1 = arith.constant 0 : i32
    return %arg0, %c0_i32, %c0_i32_0 : i32, i32, i32
  }
}

</mosaic_0001>

<sc_bundles>
// kernel: kernel.4.cloned.1.call-start
scs
__scs_entry_jumppad:
0x0: {  	(pc) =	sbr.rel $0x88, $3  }
0x1: {  	(tag) =	ssettag $0x0;
	lr =	simm.s32 $0x1  }
0x2: {  	[smem:$0x3F9F] =	sst lr;
	_ =	strace $0xD0000000  }
0x3: {  	_ = 	snop  }
0x4: {  	_ = 	snop  }
0x5: {  	_ = 	snop  }
0x6: {  	_ = 	snop  }
0x7: {  	_ = 	snop  }
__scs_overlays_trampoline_lowered:
0x8: {  	[smem:$0x3FAE] =	sst s0  }
0x9: {  	[smem:$0x3FAF] =	sst s1  }
0xa: {  	[smem:$0x3FB0] =	sst s2  }
0xb: {  	[smem:$0x3FB1] =	sst s3  }
0xc: {  	[smem:$0x3FB2] =	sst s4  }
0xd: {  	[smem:$0x3FB3] =	sst s5  }
0xe: {  	[smem:$0x3FB4] =	sst s6  }
0xf: {  	[smem:$0x3FB5] =	sst s7  }
0x10: {  	[smem:$0x3FB6] =	sst s8  }
0x11: {  	[smem:$0x3FB7] =	sst s9;
	s0 =	simm.s32 @!p0 $0x0  }
0x12: {  	s1 =	sld [smem:$0x3F9D];
	s0 =	simm.s32 @p0 $0x1  }
0x13: {  	[smem:$0x3FB8] =	sst s0;
	s0 =	simm.s32 @!p1 $0x0  }
0x14: {  	s2 =	sld [smem:$0x3F9C];
	s0 =	simm.s32 @p1 $0x1  }
0x15: {  	[smem:$0x3FB9] =	sst s0;
	s0 =	simm.s32 @!p2 $0x0  }
0x16: {  	s3 =	sld [smem:$0x3FDB];
	s0 =	simm.s32 @p2 $0x1  }
0x17: {  	s4 =	simm.s32 $0x1BF5;
	[smem:$0x3FBB] =	sst s0  }
0x18: {  	s0 =	sld [smem:$0x3F9E];
	_ =	swait.ge [sflag:s4], $0x0  }
0x19: {  	s7 =	sld [smem:$0x3F9F]  }
0x1a: {  	s8 =	sadd.s32 $0xFFFFE003, lr  }
0x1b: {  	s9 =	sadd.s32 $0xFFFFFEF7, lr;
	s5 =	simm.s32 $0xFFFFFFFF;
	p2 =	slt.u32 s8, $0xFFFFF086  }
0x1c: {  	p1 =	slt.u32 s9, $0xF7A;
	s5 =	simm.s32 @!p2 $0x0  }
0x1d: {  	s5 =	simm.s32 @p1 $0x1;
	p0 =	seq.s32 s7, s2  }
0x1e: {  	s7 =	smul.u32 @!p0 $0xF7A, s2;
	p2 =	seq.s32 @!p0 s5, $0x0  }
0x1f: {  	s9 =	smul.u32 $0xF7A, s1;
	s8 =	simm.s32 @!p0 $0x1BF5;
	p2 =	por !p2, p0  }
0x20: {  	[sflag:s8] =	ssyncset.s32 @!p0 $0xFFFFF086;
	s6 =	sadd.s32 @!p0 s3, s7;
	s7 =	simm.s32 @!p0 $0x108  }
0x21: {  	s3 =	sadd.s32 s3, s9;
	s6 =	sadd.s32 @!p0 $0x88, s6;
	s7 =	simm.s32 @p2 $0x1082  }
0x22: {  	[simem:s7], [sflag:s8] =	dma.local @!p0 [hbm:s6], $0xF7A  }
0x23: {  	s9 =	sor.u32 $0xD0000000, s2;
	s6 =	simm.s32 $0x108;
	_ =	swait.ge @!p0 [sflag:s8], $0x0  }
0x24: {  	s3 =	sadd.s32 $0x88, s3;
	s6 =	simm.s32 @!p1 $0x1082;
	[sflag:s4] =	ssyncset.s32 $0xFFFFF086  }
0x25: {  	[simem:s6], [sflag:s4] =	dma.local [hbm:s3], $0xF7A  }
0x26: {  	[smem:$0x3F9F] =	sst s1;
	(tag) =	ssettag s2;
	_ =	strace s9  }
0x27: {  	s1 =	sld [smem:$0x3FAF]  }
0x28: {  	s2 =	sld [smem:$0x3FB0]  }
0x29: {  	s4 =	sld [smem:$0x3FB2]  }
0x2a: {  	p0 =	seq.s32 s5, $0x0;
	s5 =	sld [smem:$0x3FB3]  }
0x2b: {  	s6 =	sld [smem:$0x3FB4]  }
0x2c: {  	s7 =	sld [smem:$0x3FB5]  }
0x2d: {  	s3 =	simm.s32 $0x108;
	s8 =	sld [smem:$0x3FB6]  }
0x2e: {  	s3 =	simm.s32 @!p0 $0x1082;
	s9 =	sld [smem:$0x3FB7]  }
0x2f: {  	lr =	sadd.s32 s0, s3;
	s0 =	sld [smem:$0x3FAE]  }
0x30: {  	s3 =	sld [smem:$0x3FB1]  }
0x31: {  	[smem:$0x3FBA] =	sst s10  }
0x32: {  	s10 =	sld [smem:$0x3FB8];
	_ =	sdelay $0x3  }
0x33: {  	p0 =	seq.s32 s10, $0x1;
	s10 =	sld [smem:$0x3FBA];
	_ =	sdelay $0x3  }
0x34: {  	[smem:$0x3FBA] =	sst s10  }
0x35: {  	s10 =	sld [smem:$0x3FB9];
	_ =	sdelay $0x3  }
0x36: {  	p1 =	seq.s32 s10, $0x1;
	s10 =	sld [smem:$0x3FBA];
	_ =	sdelay $0x3  }
0x37: {  	[smem:$0x3FBA] =	sst s10  }
0x38: {  	s10 =	sld [smem:$0x3FBB]  }
0x39: {  	_ = 	snop;
	(pc) =	sbr.ind lr, $3  }
0x3a: {  	_ = 	snop  }
0x3b: {  	_ = 	snop  }
0x3c: {  	p2 =	seq.s32 s10, $0x1;
	s10 =	sld [smem:$0x3FBA]  }
0x3d: {  	_ =	shalt  }
0x3e: {  	_ =	shalt  }
0x3f: {  	_ =	shalt  }
0x40: {  	_ =	shalt  }
0x41: {  	_ =	shalt  }
0x42: {  	_ =	shalt  }
0x43: {  	_ =	shalt  }
0x44: {  	_ =	shalt  }
0x45: {  	_ =	shalt  }
0x46: {  	_ =	shalt  }
0x47: {  	_ =	shalt  }
0x48: {  	_ =	shalt  }
0x49: {  	_ =	shalt  }
0x4a: {  	_ =	shalt  }
0x4b: {  	_ =	shalt  }
0x4c: {  	_ =	shalt  }
0x4d: {  	_ =	shalt  }
0x4e: {  	_ =	shalt  }
0x4f: {  	_ =	shalt  }
0x50: {  	_ =	shalt  }
0x51: {  	_ =	shalt  }
0x52: {  	_ =	shalt  }
0x53: {  	_ =	shalt  }
0x54: {  	_ =	shalt  }
0x55: {  	_ =	shalt  }
0x56: {  	_ =	shalt  }
0x57: {  	_ =	shalt  }
0x58: {  	_ =	shalt  }
0x59: {  	_ =	shalt  }
0x5a: {  	_ =	shalt  }
0x5b: {  	_ =	shalt  }
0x5c: {  	_ =	shalt  }
0x5d: {  	_ =	shalt  }
0x5e: {  	_ =	shalt  }
0x5f: {  	_ =	shalt  }
0x60: {  	_ =	shalt  }
0x61: {  	_ =	shalt  }
0x62: {  	_ =	shalt  }
0x63: {  	_ =	shalt  }
0x64: {  	_ =	shalt  }
0x65: {  	_ =	shalt  }
0x66: {  	_ =	shalt  }
0x67: {  	_ =	shalt  }
0x68: {  	_ =	shalt  }
0x69: {  	_ =	shalt  }
0x6a: {  	_ =	shalt  }
0x6b: {  	_ =	shalt  }
0x6c: {  	_ =	shalt  }
0x6d: {  	_ =	shalt  }
0x6e: {  	_ =	shalt  }
0x6f: {  	_ =	shalt  }
0x70: {  	_ =	shalt  }
0x71: {  	_ =	shalt  }
0x72: {  	_ =	shalt  }
0x73: {  	_ =	shalt  }
0x74: {  	_ =	shalt  }
0x75: {  	_ =	shalt  }
0x76: {  	_ =	shalt  }
0x77: {  	_ =	shalt  }
0x78: {  	_ =	shalt  }
0x79: {  	_ =	shalt  }
0x7a: {  	_ =	shalt  }
0x7b: {  	_ =	shalt  }
0x7c: {  	_ =	shalt  }
0x7d: {  	_ =	shalt  }
0x7e: {  	_ =	shalt  }
0x7f: {  	_ =	shalt  }
0x80: {  	_ =	shalt  }
0x81: {  	_ =	shalt  }
0x82: {  	_ =	shalt  }
0x83: {  	_ =	shalt  }
0x84: {  	_ =	shalt  }
0x85: {  	_ =	shalt  }
0x86: {  	_ =	shalt  }
0x87: {  	_ =	shalt  }
.Lfunc_end0:
.L_simem_size_0:
called_computation.1_lowered:
.L_overlay_start_0:
0x88: {  	s2 =	sld [smem:$0x3FD9]  }
0x89: {  	s3 =	sld [smem:$0x3FFE];
	_ =	sdelay $0x1  }
0x8a: {  	s1 =	srdreg.scid  }
0x8b: {  	s0 =	sand.u32 $0x1, s1  }
0x8c: {  	s17 =	sshll.u32 s0, $0xA;
	s2 =	sadd.s32 s3, s2  }
0x8d: {  	s2 =	sadd.s32 s2, s17  }
0x8e: {  	[smem:$0x3FC6] =	sst s2  }
0x8f: {  	_ = 	snop  }
0x90: {  	s2 =	sld [smem:$0x3FC8];
	(tm) =	ssettm $0x1  }
0x91: {  	s18 =	sld [smem:$0x3FFB];
	_ =	sdelay $0x3  }
0x92: {  	_ =	strace s18  }
0x93: {  	s3 =	sld [smem:$0x3FFC];
	_ =	sdelay $0x3  }
0x94: {  	_ =	strace s3  }
0x95: {  	s3 =	sld [smem:$0x3FFD];
	_ =	sdelay $0x3  }
0x96: {  	_ =	strace s3  }
0x97: {  	_ =	strace $0x8FFFFFFF  }
0x98: {  	s19 =	sld [smem:$0x3FDB];
	_ =	sdelay $0x1  }
0x99: {  	s4 =	simm.s32 $_scs_section_size  }
0x9a: {  	s5 =	simm.s32 $_size__tile_overlayer_lowered;
	s6 =	simm.s32 $_tile_overlayer_lowered  }
0x9b: {  	s22 =	simm.s32 $0x1BFF;
	s21 =	sshll.u32 s6, $0x1;
	s3 =	sadd.s32 s4, s19  }
0x9c: {  	s7 =	simm.s32 $0x0;
	s20 =	sshll.u32 s5, $0x1;
	s5 =	sadd.s32 s21, s3  }
0x9d: {  	[timem:s7], [sflag:s22] =	dma.local [hbm:s5], s20  }
0x9e: {  	_ =	swait.ge [sflag:s22], s20  }
0x9f: {  	s4 =	ssub.s32 $0x0, s20;
	[sflag:s22] =	ssyncset.done $0x0  }
0xa0: {  	[sflag:s22] =	ssyncadd.s32 s4;
	_ =	sdelay $0x1  }
0xa1: {  	s23 =	simm.s32 $0x1B8B  }
0xa2: {  	_ =	swait.ge [sflag:s23], $0x1  }
0xa3: {  	[sflag:s23] =	ssyncset.done $0x0  }
0xa4: {  	s25 =	simm.s32 $0x1B8E;
	s24 =	sld [smem:$0x3FFE];
	[sflag:s23] =	ssyncadd.s32 $0xFFFFFFFF  }
0xa5: {  	s26 =	simm.s32 $execute0_lowered;
	[smem:$0x3FD2] =	sst s25  }
0xa6: {  	s5 =	sshll.u32 s26, $0x1;
	_ =	strace $0x80000046;
	[dreg:$0x1] =	wrdreg $0xFFFFFFFF  }
0xa7: {  	s28 =	simm.s32 $_size_execute0_lowered;
	s3 =	sadd.s32 s3, s5;
	[dreg:$0x0] =	wrdreg $0x0  }
0xa8: {  	s5 =	sshll.u32 s28, $0x1;
	[dreg:$0x2] =	wrdreg s3  }
0xa9: {  	[dreg:$0x3] =	wrdreg s5  }
0xaa: {  	[dreg:$0x4] =	wrdreg $0xC0  }
0xab: {  	_ =	task [dreg:s7], $0x5FFFF  }
0xac: {  	[dreg:$0x1] =	wrdreg $0xFFFFFFFF  }
0xad: {  	[dreg:$0x0] =	wrdreg $0x60  }
0xae: {  	[dreg:$0x2] =	wrdreg s2  }
0xaf: {  	[dreg:$0x3] =	wrdreg s24  }
0xb0: {  	[dreg:$0x4] =	wrdreg $0x9  }
0xb1: {  	_ =	task.clear_ibuf [dreg:s7], $0x5FFFF;
	_ =	strace $0x90000046  }
0xb2: {  	s29 =	simm.s32 $0x9;
	_ =	strace $0x80000048  }
0xb3: {  	_ =	swait.ge [sflag:s29], $0x1  }
0xb4: {  	[sflag:s29] =	ssyncadd.s32 $0xFFFFFFFF  }
0xb5: {  	_ =	strace $0x90000048  }
0xb6: {  	_ =	sfence  }
0xb7: {  	s30 =	sld [smem:$0x0];
	_ =	sdelay $0x2  }
0xb8: {  	s31 =	sshll.u32 s1, $0xD;
	s1 =	sshrl.u32 s1, $0x2  }
0xb9: {  	s3 =	sand.u32 $0x4000, s31;
	s1 =	sadd.s32 s1, s30  }
0xba: {  	s0 =	sor.u32 s3, s0;
	s1 =	sshll.u32 s1, $0x11  }
0xbb: {  	s0 =	sor.u32 s1, s0  }
0xbc: {  	s0 =	sadd.s32 $0x8F2B, s0  }
0xbd: {  	[sflag:s0] =	ssyncadd.remote.s32 $0x1  }
0xbe: {  	_ =	sfence.sel $0xFFFF  }
0xbf: {  	[dreg:$0x0] =	wrdreg $0xFFFFFFFF;
	(pc) =	sbr.abs _section_cstart, $3  }
0xc0: {  	[dreg:$0x1] =	wrdreg $0xFFFFFFFF  }
0xc1: {  	_ =	task.clear_ibuf [dreg:s7], $0x2FFFF;
	_ =	strace $0x9FFFFFFF  }
0xc2: {  	(tm) =	ssettm $0x7FFFFFFF  }
0xc3: {  	_ =	shalt  }
tec
execute0_lowered:
.L_overlay_start_1:
0x0: {  	(tag) =	ssettag $0x1  }
0x1: {  	s1 =	rddreg [dreg:$0x0]  }
0x2: {  	s0 =	rddreg [dreg:$0x1];
	s2 =	srdreg.scid  }
0x3: {  	s3 =	simm.s32 $0x0;
	s7 =	stileid.u32;
	s20 =	simm.s32 $0x1000  }
0x4: {  	s30 =	simm.s32 $0x9000;
	s13 =	simm.s32 $0x15000;
	s29 =	simm.s32 $0x4  }
0x5: {  	s31 =	simm.s32 $0x5;
	s28 =	simm.s32 $0x0;
	s2 =	sand.u32 $0x1, s2  }
0x6: {  	[smem:$0x7FF] =	sst s3;
	s4 =	sshll.u32 s7, $0xA;
	s9 =	smul.u32 $0x700000, s7  }
0x7: {  	s7 =	sadd.s32 $0x300, s1;
	s8 =	sadd.s32 $0x400, s1;
	s10 =	sadd.s32 $0x600, s1  }
0x8: {  	s11 =	sadd.s32 $0x700, s1;
	s5 =	sshll.u32 s2, $0x9;
	_ =	strace $0x80000047  }
0x9: {  	s21 =	ssub.s32 $0x2, s2;
	s2 =	smul.u32 $0x380000, s2;
	s4 =	sor.u32 s5, s4  }
0xa: {  	s6 =	sshrl.u32 s21, $0x1;
	s5 =	sadd.s32 $0x100, s1;
	s4 =	sadd.s32 s4, s0  }
0xb: {  	s0 =	sadd.s32 $0x4E00, s0;
	s12 =	ssub.s32 s21, s6;
	s6 =	sadd.s32 $0x200, s1  }
0xc: {  	s2 =	sadd.s32 s2, s9;
	s9 =	sadd.s32 $0x500, s1;
	s21 =	simm.s32 $0x5000  }
0xd: {  	s4 =	sadd.s32 $0xE00, s4;
	s22 =	sshrl.u32 s2, $0x3;
	s12 =	smax.u32 s12, $0x1  }
0xe: {  	s23 =	sor.u32 $0x8000, s2;
	s24 =	sor.u32 $0x10000, s2;
	s14 =	sor.u32 $0x18000, s2  }
0xf: {  	s25 =	sor.u32 $0x4000, s2;
	s26 =	sor.u32 $0x14000, s2;
	[dreg:$0x3] =	wrdreg s4  }
0x10: {  	s2 =	sor.u32 $0xC000, s2;
	[dreg:$0x4] =	wrdreg s12;
	s4 =	sadd.s32 s22, s0  }
0x11: {  	s12 =	sshrl.u32 s24, $0x3;
	s16 =	sshrl.u32 s14, $0x3;
	s2 =	sshrl.u32 s2, $0x3  }
0x12: {  	s22 =	simm.s32 $0x1;
	[dreg:$0x5] =	wrdreg s4;
	s4 =	sshrl.u32 s23, $0x3  }
.Ltmp0:
0x13: {  	s15 =	sadd.s32 s12, s0;
	s16 =	sadd.s32 s16, s0;
	(pc) =	sbr.rel .LBB2_1-.Ltmp0, $4  }
0x14: {  	s12 =	sshrl.u32 s26, $0x3;
	s19 =	sadd.s32 s2, s0;
	s23 =	simm.s32 $0xD000  }
0x15: {  	v0 =	vlaneseq.u32;
	s2 =	simm.s32 $0x11000;
	s26 =	simm.s32 $0x3;
	s14 =	sadd.s32 s4, s0  }
0x16: {  	v1 =	vshrl.u32 v0, $0x3;
	s4 =	sshrl.u32 s25, $0x3;
	s18 =	sadd.s32 s12, s0;
	s25 =	simm.s32 $0x2  }
0x17: {  	vm0 =	vmmov $0xffff;
	v0 =	vand.u32 $0x7, v0;
	v1 =	vmul.u32 $0x8, v1;
	s17 =	sadd.s32 s4, s0;
	s0 =	simm.s32 $0x6;
	s4 =	simm.s32 $0x7  }
.LBB2_12:
0x18: {  	s12 =	simm.s32 $0x8  }
0x19: {  	_ =	swait.ge [sflag:s12], $0x4000  }
0x1a: {  	[sflag:s12] =	ssyncset.done $0x0  }
0x1b: {  	s24 =	simm.s32 $0x9;
	[sflag:s12] =	ssyncadd.s32 $0xFFFFC000  }
0x1c: {  	_ =	swait.ge [sflag:s24], $0x4000  }
0x1d: {  	[sflag:s24] =	ssyncset.done $0x0  }
0x1e: {  	[sflag:s24] =	ssyncadd.s32 $0xFFFFC000;
	s24 =	simm.s32 $0xA  }
0x1f: {  	_ =	swait.ge [sflag:s24], $0x4000  }
0x20: {  	[sflag:s24] =	ssyncset.done $0x0  }
0x21: {  	[sflag:s24] =	ssyncadd.s32 $0xFFFFC000;
	s24 =	simm.s32 $0xB  }
0x22: {  	_ =	swait.ge [sflag:s24], $0x4000  }
0x23: {  	[sflag:s24] =	ssyncset.done $0x0  }
0x24: {  	[sflag:s24] =	ssyncadd.s32 $0xFFFFC000;
	s24 =	simm.s32 $0xC  }
0x25: {  	_ =	swait.ge [sflag:s24], $0x4000  }
0x26: {  	[sflag:s24] =	ssyncset.done $0x0  }
0x27: {  	[sflag:s24] =	ssyncadd.s32 $0xFFFFC000;
	s24 =	simm.s32 $0xD  }
0x28: {  	_ =	swait.ge [sflag:s24], $0x4000  }
0x29: {  	[sflag:s24] =	ssyncset.done $0x0  }
0x2a: {  	[sflag:s24] =	ssyncadd.s32 $0xFFFFC000;
	s24 =	simm.s32 $0xE  }
0x2b: {  	_ =	swait.ge [sflag:s24], $0x4000  }
0x2c: {  	s28 =	rddreg [dreg:$0x6]  }
0x2d: {  	s12 =	rddreg [dreg:$0x4];
	s28 =	sadd.s32 $0x1, s28  }
0x2e: {  	p0 =	sne.s32 s28, s12  }
.Ltmp1:
0x2f: {  	_ = 	snop;
	(pc) =	sbr.rel @!p0 .LBB2_13-.Ltmp1, $3  }
0x30: {  	_ =	sdelay $0x1  }
0x31: {  	[sflag:s24] =	ssyncset.done $0x0  }
0x32: {  	[sflag:s24] =	ssyncadd.s32 $0xFFFFC000  }
.LBB2_1:
0x33: {  	[dreg:$0x6] =	wrdreg s28  }
0x34: {  	s12 =	rddreg [dreg:$0x3];
	s24 =	simm.s32 $0xF  }
0x35: {  	[tilespmem:s3], [sflag:$0xF] =	stream.linear.gather [hbm4b:s12+s3], $0x1000, $0x38;
	[tilespmem:$0x1D000] =	vst v63  }
0x36: {  	_ =	swait.ge [sflag:s24], $0x1000  }
0x37: {  	[sflag:s24] =	ssyncset.done $0x0  }
0x38: {  	[sflag:s24] =	ssyncadd.s32 $0xFFFFF000  }
0x39: {  	v2 =	vld.msk [tilespmem:$0x0], $0xff;
	_ =	sdelay $0x4  }
0x3a: {  	v3 =	vshll.u32 v2, $0x4  }
0x3b: {  	v2 =	vand.u32 $0x7, v2;
	v3 =	vand.u32 $0xFFFFFF80, v3  }
0x3c: {  	v2 =	vor.u32 v2, v3  }
0x3d: {  	v2 =	vperm.xlane v2, v0;
	_ =	sdelay $0x1  }
0x3e: {  	v2 =	vadd.s32 v1, v2;
	_ =	sdelay $0x4  }
0x3f: {  	[tilespmem:s20], [sflag:$0x1] =	stream.indirect_vreg.gather [hbm4b:s1+s3], $0x80, v2, vm0, $0xb8;
	[tilespmem:$0x1D000] =	vst v63  }
0x40: {  	s24 =	simm.s32 $0x1800  }
0x41: {  	[tilespmem:s24], [sflag:$0x1] =	stream.indirect_vreg.gather [hbm4b:s5+s3], $0x80, v2, vm0, $0xb8;
	[tilespmem:$0x1D000] =	vst v63  }
0x42: {  	s24 =	simm.s32 $0x2000  }
0x43: {  	[tilespmem:s24], [sflag:$0x1] =	stream.indirect_vreg.gather [hbm4b:s6+s3], $0x80, v2, vm0, $0xb8;
	[tilespmem:$0x1D000] =	vst v63  }
0x44: {  	s24 =	simm.s32 $0x2800  }
0x45: {  	[tilespmem:s24], [sflag:$0x1] =	stream.indirect_vreg.gather [hbm4b:s7+s3], $0x80, v2, vm0, $0xb8;
	[tilespmem:$0x1D000] =	vst v63  }
0x46: {  	s24 =	simm.s32 $0x3000  }
0x47: {  	[tilespmem:s24], [sflag:$0x1] =	stream.indirect_vreg.gather [hbm4b:s8+s3], $0x80, v2, vm0, $0xb8;
	[tilespmem:$0x1D000] =	vst v63  }
0x48: {  	s24 =	simm.s32 $0x3800  }
0x49: {  	[tilespmem:s24], [sflag:$0x1] =	stream.indirect_vreg.gather [hbm4b:s9+s3], $0x80, v2, vm0, $0xb8;
	[tilespmem:$0x1D000] =	vst v63  }
0x4a: {  	s24 =	simm.s32 $0x4000  }
0x4b: {  	[tilespmem:s24], [sflag:$0x1] =	stream.indirect_vreg.gather [hbm4b:s10+s3], $0x80, v2, vm0, $0xb8;
	[tilespmem:$0x1D000] =	vst v63  }
0x4c: {  	s24 =	simm.s32 $0x4800  }
0x4d: {  	[tilespmem:s24], [sflag:$0x1] =	stream.indirect_vreg.gather [hbm4b:s11+s3], $0x80, v2, vm0, $0xb8;
	[tilespmem:$0x1D000] =	vst v63  }
0x4e: {  	v2 =	vld.msk [tilespmem:$0x8], $0xff;
	_ =	sdelay $0x4  }
0x4f: {  	v3 =	vshll.u32 v2, $0x4  }
0x50: {  	v2 =	vand.u32 $0x7, v2;
	v3 =	vand.u32 $0xFFFFFF80, v3  }
0x51: {  	v2 =	vor.u32 v2, v3  }
0x52: {  	v2 =	vperm.xlane v2, v0;
	_ =	sdelay $0x1  }
0x53: {  	v2 =	vadd.s32 v1, v2;
	_ =	sdelay $0x4  }
0x54: {  	[tilespmem:s21], [sflag:$0x2] =	stream.indirect_vreg.gather [hbm4b:s1+s3], $0x80, v2, vm0, $0xb8;
	[tilespmem:$0x1D000] =	vst v63  }
0x55: {  	s24 =	simm.s32 $0x5800  }
0x56: {  	[tilespmem:s24], [sflag:$0x2] =	stream.indirect_vreg.gather [hbm4b:s5+s3], $0x80, v2, vm0, $0xb8;
	[tilespmem:$0x1D000] =	vst v63  }
0x57: {  	s24 =	simm.s32 $0x6000  }
0x58: {  	[tilespmem:s24], [sflag:$0x2] =	stream.indirect_vreg.gather [hbm4b:s6+s3], $0x80, v2, vm0, $0xb8;
	[tilespmem:$0x1D000] =	vst v63  }
0x59: {  	s24 =	simm.s32 $0x6800  }
0x5a: {  	[tilespmem:s24], [sflag:$0x2] =	stream.indirect_vreg.gather [hbm4b:s7+s3], $0x80, v2, vm0, $0xb8;
	[tilespmem:$0x1D000] =	vst v63  }
0x5b: {  	s24 =	simm.s32 $0x7000  }
0x5c: {  	[tilespmem:s24], [sflag:$0x2] =	stream.indirect_vreg.gather [hbm4b:s8+s3], $0x80, v2, vm0, $0xb8;
	[tilespmem:$0x1D000] =	vst v63  }
0x5d: {  	s24 =	simm.s32 $0x7800  }
0x5e: {  	[tilespmem:s24], [sflag:$0x2] =	stream.indirect_vreg.gather [hbm4b:s9+s3], $0x80, v2, vm0, $0xb8;
	[tilespmem:$0x1D000] =	vst v63  }
0x5f: {  	s24 =	simm.s32 $0x8000  }
0x60: {  	[tilespmem:s24], [sflag:$0x2] =	stream.indirect_vreg.gather [hbm4b:s10+s3], $0x80, v2, vm0, $0xb8;
	[tilespmem:$0x1D000] =	vst v63  }
0x61: {  	s24 =	simm.s32 $0x8800  }
0x62: {  	[tilespmem:s24], [sflag:$0x2] =	stream.indirect_vreg.gather [hbm4b:s11+s3], $0x80, v2, vm0, $0xb8;
	[tilespmem:$0x1D000] =	vst v63  }
0x63: {  	v2 =	vld.msk [tilespmem:$0x10], $0xff;
	_ =	sdelay $0x4  }
0x64: {  	v3 =	vshll.u32 v2, $0x4  }
0x65: {  	v2 =	vand.u32 $0x7, v2;
	v3 =	vand.u32 $0xFFFFFF80, v3  }
0x66: {  	v2 =	vor.u32 v2, v3  }
0x67: {  	v2 =	vperm.xlane v2, v0;
	_ =	sdelay $0x1  }
0x68: {  	v2 =	vadd.s32 v1, v2;
	_ =	sdelay $0x4  }
0x69: {  	[tilespmem:s30], [sflag:$0x3] =	stream.indirect_vreg.gather [hbm4b:s1+s3], $0x80, v2, vm0, $0xb8;
	[tilespmem:$0x1D000] =	vst v63  }
0x6a: {  	s30 =	simm.s32 $0x9800  }
0x6b: {  	[tilespmem:s30], [sflag:$0x3] =	stream.indirect_vreg.gather [hbm4b:s5+s3], $0x80, v2, vm0, $0xb8;
	[tilespmem:$0x1D000] =	vst v63  }
0x6c: {  	s24 =	simm.s32 $0xA000  }
0x6d: {  	[tilespmem:s24], [sflag:$0x3] =	stream.indirect_vreg.gather [hbm4b:s6+s3], $0x80, v2, vm0, $0xb8;
	[tilespmem:$0x1D000] =	vst v63  }
0x6e: {  	s30 =	simm.s32 $0xA800  }
0x6f: {  	[tilespmem:s30], [sflag:$0x3] =	stream.indirect_vreg.gather [hbm4b:s7+s3], $0x80, v2, vm0, $0xb8;
	[tilespmem:$0x1D000] =	vst v63  }
0x70: {  	s24 =	simm.s32 $0xB000  }
0x71: {  	[tilespmem:s24], [sflag:$0x3] =	stream.indirect_vreg.gather [hbm4b:s8+s3], $0x80, v2, vm0, $0xb8;
	[tilespmem:$0x1D000] =	vst v63  }
0x72: {  	s30 =	simm.s32 $0xB800  }
0x73: {  	[tilespmem:s30], [sflag:$0x3] =	stream.indirect_vreg.gather [hbm4b:s9+s3], $0x80, v2, vm0, $0xb8;
	[tilespmem:$0x1D000] =	vst v63  }
0x74: {  	s24 =	simm.s32 $0xC000  }
0x75: {  	[tilespmem:s24], [sflag:$0x3] =	stream.indirect_vreg.gather [hbm4b:s10+s3], $0x80, v2, vm0, $0xb8;
	[tilespmem:$0x1D000] =	vst v63  }
0x76: {  	s30 =	simm.s32 $0xC800  }
0x77: {  	[tilespmem:s30], [sflag:$0x3] =	stream.indirect_vreg.gather [hbm4b:s11+s3], $0x80, v2, vm0, $0xb8;
	[tilespmem:$0x1D000] =	vst v63  }
0x78: {  	v2 =	vld.msk [tilespmem:$0x18], $0xff;
	_ =	sdelay $0x4  }
0x79: {  	v3 =	vshll.u32 v2, $0x4  }
0x7a: {  	v2 =	vand.u32 $0x7, v2;
	v3 =	vand.u32 $0xFFFFFF80, v3  }
0x7b: {  	v2 =	vor.u32 v2, v3  }
0x7c: {  	v2 =	vperm.xlane v2, v0;
	_ =	sdelay $0x1  }
0x7d: {  	v2 =	vadd.s32 v1, v2;
	_ =	sdelay $0x4  }
0x7e: {  	[tilespmem:s23], [sflag:$0x4] =	stream.indirect_vreg.gather [hbm4b:s1+s3], $0x80, v2, vm0, $0xb8;
	[tilespmem:$0x1D000] =	vst v63  }
0x7f: {  	s24 =	simm.s32 $0xD800  }
0x80: {  	[tilespmem:s24], [sflag:$0x4] =	stream.indirect_vreg.gather [hbm4b:s5+s3], $0x80, v2, vm0, $0xb8;
	[tilespmem:$0x1D000] =	vst v63  }
0x81: {  	s30 =	simm.s32 $0xE000  }
0x82: {  	[tilespmem:s30], [sflag:$0x4] =	stream.indirect_vreg.gather [hbm4b:s6+s3], $0x80, v2, vm0, $0xb8;
	[tilespmem:$0x1D000] =	vst v63  }
0x83: {  	s24 =	simm.s32 $0xE800  }
0x84: {  	[tilespmem:s24], [sflag:$0x4] =	stream.indirect_vreg.gather [hbm4b:s7+s3], $0x80, v2, vm0, $0xb8;
	[tilespmem:$0x1D000] =	vst v63  }
0x85: {  	s30 =	simm.s32 $0xF000  }
0x86: {  	[tilespmem:s30], [sflag:$0x4] =	stream.indirect_vreg.gather [hbm4b:s8+s3], $0x80, v2, vm0, $0xb8;
	[tilespmem:$0x1D000] =	vst v63  }
0x87: {  	s24 =	simm.s32 $0xF800  }
0x88: {  	[tilespmem:s24], [sflag:$0x4] =	stream.indirect_vreg.gather [hbm4b:s9+s3], $0x80, v2, vm0, $0xb8;
	[tilespmem:$0x1D000] =	vst v63  }
0x89: {  	s30 =	simm.s32 $0x10000  }
0x8a: {  	[tilespmem:s30], [sflag:$0x4] =	stream.indirect_vreg.gather [hbm4b:s10+s3], $0x80, v2, vm0, $0xb8;
	[tilespmem:$0x1D000] =	vst v63  }
0x8b: {  	s24 =	simm.s32 $0x10800  }
0x8c: {  	[tilespmem:s24], [sflag:$0x4] =	stream.indirect_vreg.gather [hbm4b:s11+s3], $0x80, v2, vm0, $0xb8;
	[tilespmem:$0x1D000] =	vst v63  }
0x8d: {  	v2 =	vld.msk [tilespmem:$0x20], $0xff;
	_ =	sdelay $0x4  }
0x8e: {  	v3 =	vshll.u32 v2, $0x4  }
0x8f: {  	v2 =	vand.u32 $0x7, v2;
	v3 =	vand.u32 $0xFFFFFF80, v3  }
0x90: {  	v2 =	vor.u32 v2, v3  }
0x91: {  	v2 =	vperm.xlane v2, v0;
	_ =	sdelay $0x1  }
0x92: {  	v2 =	vadd.s32 v1, v2;
	_ =	sdelay $0x4  }
0x93: {  	[tilespmem:s2], [sflag:$0x5] =	stream.indirect_vreg.gather [hbm4b:s1+s3], $0x80, v2, vm0, $0xb8;
	[tilespmem:$0x1D000] =	vst v63  }
0x94: {  	s30 =	simm.s32 $0x11800  }
0x95: {  	[tilespmem:s30], [sflag:$0x5] =	stream.indirect_vreg.gather [hbm4b:s5+s3], $0x80, v2, vm0, $0xb8;
	[tilespmem:$0x1D000] =	vst v63  }
0x96: {  	s12 =	simm.s32 $0x12000  }
0x97: {  	[tilespmem:s12], [sflag:$0x5] =	stream.indirect_vreg.gather [hbm4b:s6+s3], $0x80, v2, vm0, $0xb8;
	[tilespmem:$0x1D000] =	vst v63  }
0x98: {  	s24 =	simm.s32 $0x12800  }
0x99: {  	[tilespmem:s24], [sflag:$0x5] =	stream.indirect_vreg.gather [hbm4b:s7+s3], $0x80, v2, vm0, $0xb8;
	[tilespmem:$0x1D000] =	vst v63  }
0x9a: {  	s30 =	simm.s32 $0x13000  }
0x9b: {  	[tilespmem:s30], [sflag:$0x5] =	stream.indirect_vreg.gather [hbm4b:s8+s3], $0x80, v2, vm0, $0xb8;
	[tilespmem:$0x1D000] =	vst v63  }
0x9c: {  	s12 =	simm.s32 $0x13800  }
0x9d: {  	[tilespmem:s12], [sflag:$0x5] =	stream.indirect_vreg.gather [hbm4b:s9+s3], $0x80, v2, vm0, $0xb8;
	[tilespmem:$0x1D000] =	vst v63  }
0x9e: {  	s24 =	simm.s32 $0x14000  }
0x9f: {  	[tilespmem:s24], [sflag:$0x5] =	stream.indirect_vreg.gather [hbm4b:s10+s3], $0x80, v2, vm0, $0xb8;
	[tilespmem:$0x1D000] =	vst v63  }
0xa0: {  	s30 =	simm.s32 $0x14800  }
0xa1: {  	[tilespmem:s30], [sflag:$0x5] =	stream.indirect_vreg.gather [hbm4b:s11+s3], $0x80, v2, vm0, $0xb8;
	[tilespmem:$0x1D000] =	vst v63  }
0xa2: {  	v2 =	vld.msk [tilespmem:$0x28], $0xff;
	_ =	sdelay $0x4  }
0xa3: {  	v3 =	vshll.u32 v2, $0x4  }
0xa4: {  	v2 =	vand.u32 $0x7, v2;
	v3 =	vand.u32 $0xFFFFFF80, v3  }
0xa5: {  	v2 =	vor.u32 v2, v3  }
0xa6: {  	v2 =	vperm.xlane v2, v0;
	_ =	sdelay $0x1  }
0xa7: {  	v2 =	vadd.s32 v1, v2;
	_ =	sdelay $0x4  }
0xa8: {  	[tilespmem:s13], [sflag:$0x6] =	stream.indirect_vreg.gather [hbm4b:s1+s3], $0x80, v2, vm0, $0xb8;
	[tilespmem:$0x1D000] =	vst v63  }
0xa9: {  	s12 =	simm.s32 $0x15800  }
0xaa: {  	[tilespmem:s12], [sflag:$0x6] =	stream.indirect_vreg.gather [hbm4b:s5+s3], $0x80, v2, vm0, $0xb8;
	[tilespmem:$0x1D000] =	vst v63  }
0xab: {  	s24 =	simm.s32 $0x16000  }
0xac: {  	[tilespmem:s24], [sflag:$0x6] =	stream.indirect_vreg.gather [hbm4b:s6+s3], $0x80, v2, vm0, $0xb8;
	[tilespmem:$0x1D000] =	vst v63  }
0xad: {  	s30 =	simm.s32 $0x16800  }
0xae: {  	[tilespmem:s30], [sflag:$0x6] =	stream.indirect_vreg.gather [hbm4b:s7+s3], $0x80, v2, vm0, $0xb8;
	[tilespmem:$0x1D000] =	vst v63  }
0xaf: {  	s12 =	simm.s32 $0x17000  }
0xb0: {  	[tilespmem:s12], [sflag:$0x6] =	stream.indirect_vreg.gather [hbm4b:s8+s3], $0x80, v2, vm0, $0xb8;
	[tilespmem:$0x1D000] =	vst v63  }
0xb1: {  	s24 =	simm.s32 $0x17800  }
0xb2: {  	[tilespmem:s24], [sflag:$0x6] =	stream.indirect_vreg.gather [hbm4b:s9+s3], $0x80, v2, vm0, $0xb8;
	[tilespmem:$0x1D000] =	vst v63  }
0xb3: {  	s30 =	simm.s32 $0x18000  }
0xb4: {  	[tilespmem:s30], [sflag:$0x6] =	stream.indirect_vreg.gather [hbm4b:s10+s3], $0x80, v2, vm0, $0xb8;
	[tilespmem:$0x1D000] =	vst v63  }
0xb5: {  	s12 =	simm.s32 $0x18800  }
0xb6: {  	[tilespmem:s12], [sflag:$0x6] =	stream.indirect_vreg.gather [hbm4b:s11+s3], $0x80, v2, vm0, $0xb8;
	[tilespmem:$0x1D000] =	vst v63  }
0xb7: {  	v2 =	vld.msk [tilespmem:$0x30], $0xff;
	_ =	sdelay $0x4  }
0xb8: {  	v3 =	vshll.u32 v2, $0x4  }
0xb9: {  	v2 =	vand.u32 $0x7, v2;
	v3 =	vand.u32 $0xFFFFFF80, v3  }
0xba: {  	v2 =	vor.u32 v2, v3  }
0xbb: {  	v2 =	vperm.xlane v2, v0;
	_ =	sdelay $0x1  }
0xbc: {  	v2 =	vadd.s32 v1, v2;
	_ =	sdelay $0x3  }
0xbd: {  	s24 =	simm.s32 $0x19000  }
0xbe: {  	[tilespmem:s24], [sflag:$0x7] =	stream.indirect_vreg.gather [hbm4b:s1+s3], $0x80, v2, vm0, $0xb8;
	[tilespmem:$0x1D000] =	vst v63  }
0xbf: {  	s30 =	simm.s32 $0x19800  }
0xc0: {  	[tilespmem:s30], [sflag:$0x7] =	stream.indirect_vreg.gather [hbm4b:s5+s3], $0x80, v2, vm0, $0xb8;
	[tilespmem:$0x1D000] =	vst v63  }
0xc1: {  	s12 =	simm.s32 $0x1A000  }
0xc2: {  	[tilespmem:s12], [sflag:$0x7] =	stream.indirect_vreg.gather [hbm4b:s6+s3], $0x80, v2, vm0, $0xb8;
	[tilespmem:$0x1D000] =	vst v63  }
0xc3: {  	s24 =	simm.s32 $0x1A800  }
0xc4: {  	[tilespmem:s24], [sflag:$0x7] =	stream.indirect_vreg.gather [hbm4b:s7+s3], $0x80, v2, vm0, $0xb8;
	[tilespmem:$0x1D000] =	vst v63  }
0xc5: {  	s30 =	simm.s32 $0x1B000  }
0xc6: {  	[tilespmem:s30], [sflag:$0x7] =	stream.indirect_vreg.gather [hbm4b:s8+s3], $0x80, v2, vm0, $0xb8;
	[tilespmem:$0x1D000] =	vst v63  }
0xc7: {  	s12 =	simm.s32 $0x1B800  }
0xc8: {  	[tilespmem:s12], [sflag:$0x7] =	stream.indirect_vreg.gather [hbm4b:s9+s3], $0x80, v2, vm0, $0xb8;
	[tilespmem:$0x1D000] =	vst v63  }
.Ltmp2:
0xc9: {  	_ = 	snop;
	(pc) =	sbr.rel .LBB2_2-.Ltmp2, $4  }
0xca: {  	s24 =	simm.s32 $0x1C000  }
0xcb: {  	[tilespmem:s24], [sflag:$0x7] =	stream.indirect_vreg.gather [hbm4b:s10+s3], $0x80, v2, vm0, $0xb8;
	[tilespmem:$0x1D000] =	vst v63  }
0xcc: {  	s28 =	simm.s32 $0xB0;
	s30 =	simm.s32 $0x1C800;
	s24 =	simm.s32 $0x0  }
0xcd: {  	[tilespmem:s30], [sflag:$0x7] =	stream.indirect_vreg.gather [hbm4b:s11+s3], $0x80, v2, vm0, $0xb8;
	[tilespmem:$0x1D000] =	vst v63  }
.LBB2_10:
0xce: {  	_ =	swait.ge [sflag:s0], $0x4000  }
0xcf: {  	[sflag:s0] =	ssyncset.done $0x0  }
0xd0: {  	s2 =	simm.s32 $0x11000;
	s30 =	simm.s32 $0x9000;
	[sflag:s0] =	ssyncadd.s32 $0xFFFFC000  }
0xd1: {  	[hbm4b:s12+s3] =	stream.linear.scatter [tilespmem:s13], [sflag:$0xD], $0x4000, $0x38;
	[tilespmem:$0x1D000] =	vst v63  }
.LBB2_11:
0xd2: {  	_ =	swait.ge [sflag:s4], $0x4000  }
0xd3: {  	[sflag:s4] =	ssyncset.done $0x0  }
0xd4: {  	s12 =	sadd.s32 s24, s16;
	s20 =	simm.s32 $0x19000;
	[sflag:s4] =	ssyncadd.s32 $0xFFFFC000  }
0xd5: {  	[hbm4b:s12+s3] =	stream.linear.scatter [tilespmem:s20], [sflag:$0xE], $0x4000, $0x38;
	[tilespmem:$0x1D000] =	vst v63  }
0xd6: {  	s12 =	simm.s32 @!p0 $0xE  }
0xd7: {  	_ =	swait.ge @!p0 [sflag:s12], $0x4000  }
0xd8: {  	[sflag:s12] =	ssyncset.done @!p0 $0x0  }
0xd9: {  	[sflag:s12] =	ssyncadd.s32 @!p0 $0xFFFFC000  }
0xda: {  	v2 =	vld.msk @!p0 [tilespmem:s28+$0x0], $0xff;
	_ =	sdelay $0x4  }
0xdb: {  	v3 =	vshll.u32 @!p0 v2, $0x4  }
0xdc: {  	v4 =	vlaneseq.u32 @!p0;
	v2 =	vand.u32 @!p0 $0x7, v2;
	v3 =	vand.u32 @!p0 $0xFFFFFF80, v3  }
0xdd: {  	v2 =	vor.u32 @!p0 v2, v3;
	v3 =	vand.u32 @!p0 $0x7, v4;
	v4 =	vshrl.u32 @!p0 v4, $0x3  }
0xde: {  	v2 =	vperm.xlane @!p0 v2, v3;
	v3 =	vmul.u32 @!p0 $0x8, v4;
	_ =	sdelay $0x1  }
0xdf: {  	v2 =	vadd.s32 @!p0 v3, v2;
	_ =	sdelay $0x3  }
0xe0: {  	vm1 =	vmmov @!p0 $0xffff;
	s20 =	simm.s32 @!p0 $0x19000;
	s12 =	simm.s32 @!p0 $0x0  }
0xe1: {  	[tilespmem:s20], [sflag:$0x7] =	stream.indirect_vreg.gather @!p0 [hbm4b:s1+s12], $0x80, v2, vm1, $0xb8;
	[tilespmem:$0x1D000] =	vst v63  }
0xe2: {  	s20 =	simm.s32 @!p0 $0x19800  }
0xe3: {  	[tilespmem:s20], [sflag:$0x7] =	stream.indirect_vreg.gather @!p0 [hbm4b:s5+s12], $0x80, v2, vm1, $0xb8;
	[tilespmem:$0x1D000] =	vst v63  }
0xe4: {  	s20 =	simm.s32 @!p0 $0x1A000  }
0xe5: {  	[tilespmem:s20], [sflag:$0x7] =	stream.indirect_vreg.gather @!p0 [hbm4b:s6+s12], $0x80, v2, vm1, $0xb8;
	[tilespmem:$0x1D000] =	vst v63  }
0xe6: {  	s24 =	sadd.s32 @!p0 $0x3800, s24;
	s20 =	simm.s32 @!p0 $0x1A800  }
0xe7: {  	[tilespmem:s20], [sflag:$0x7] =	stream.indirect_vreg.gather @!p0 [hbm4b:s7+s12], $0x80, v2, vm1, $0xb8;
	[tilespmem:$0x1D000] =	vst v63  }
0xe8: {  	p1 =	sne.s32 @!p0 s24, $0x70000;
	s20 =	simm.s32 @!p0 $0x1B000  }
0xe9: {  	[tilespmem:s20], [sflag:$0x7] =	stream.indirect_vreg.gather @!p0 [hbm4b:s8+s12], $0x80, v2, vm1, $0xb8;
	[tilespmem:$0x1D000] =	vst v63  }
0xea: {  	p1 =	por p0, !p1;
	s20 =	simm.s32 @!p0 $0x1B800  }
0xeb: {  	[tilespmem:s20], [sflag:$0x7] =	stream.indirect_vreg.gather @!p0 [hbm4b:s9+s12], $0x80, v2, vm1, $0xb8;
	[tilespmem:$0x1D000] =	vst v63  }
.Ltmp3:
0xec: {  	s20 =	simm.s32 @!p0 $0x1C000;
	(pc) =	sbr.rel @p1 .LBB2_12-.Ltmp3, $4  }
0xed: {  	[tilespmem:s20], [sflag:$0x7] =	stream.indirect_vreg.gather @!p0 [hbm4b:s10+s12], $0x80, v2, vm1, $0xb8;
	[tilespmem:$0x1D000] =	vst v63  }
0xee: {  	s20 =	simm.s32 @!p0 $0x1C800  }
0xef: {  	[tilespmem:s20], [sflag:$0x7] =	stream.indirect_vreg.gather @!p0 [hbm4b:s11+s12], $0x80, v2, vm1, $0xb8;
	[tilespmem:$0x1D000] =	vst v63  }
0xf0: {  	s28 =	sadd.s32 @!p0 $0x80, s28;
	s20 =	simm.s32 $0x1000  }
.LBB2_2:
0xf1: {  	p0 =	seq.s32 s24, $0x6C800  }
.Ltmp4:
0xf2: {  	_ =	swait.ge [sflag:s22], $0x4000;
	(pc) =	sbr.rel @!p0 .LBB2_3-.Ltmp4, $4  }
0xf3: {  	[sflag:s22] =	ssyncset.done $0x0;
	s2 =	rddreg [dreg:$0x5]  }
0xf4: {  	[sflag:s22] =	ssyncadd.s32 $0xFFFFC000;
	s12 =	sadd.s32 s24, s2  }
0xf5: {  	[hbm4b:s12+s3] =	stream.linear.scatter [tilespmem:s20], [sflag:$0x8], $0x4000, $0x38;
	[tilespmem:$0x1D000] =	vst v63  }
0xf6: {  	s12 =	sadd.s32 s24, s17  }
.Ltmp5:
0xf7: {  	(pc) =	sbr.rel .LBB2_5-.Ltmp5, $4  }
0xf8: {  	_ =	swait.ge [sflag:s25], $0x4000  }
0xf9: {  	[sflag:s25] =	ssyncset.done $0x0  }
0xfa: {  	[sflag:s25] =	ssyncadd.s32 $0xFFFFC000  }
0xfb: {  	[hbm4b:s12+s3] =	stream.linear.scatter [tilespmem:s21], [sflag:$0x9], $0x4000, $0x38;
	[tilespmem:$0x1D000] =	vst v63  }
.LBB2_3:
0xfc: {  	s2 =	simm.s32 $0x8  }
0xfd: {  	_ =	swait.ge [sflag:s2], $0x4000  }
0xfe: {  	[sflag:s2] =	ssyncset.done $0x0  }
0xff: {  	[sflag:s2] =	ssyncadd.s32 $0xFFFFC000  }
0x100: {  	v2 =	vld.msk [tilespmem:s28+$0xFFFFFFD0], $0xff;
	_ =	sdelay $0x4  }
0x101: {  	v3 =	vshll.u32 v2, $0x4  }
0x102: {  	v2 =	vand.u32 $0x7, v2;
	v3 =	vand.u32 $0xFFFFFF80, v3  }
0x103: {  	v2 =	vor.u32 v2, v3  }
0x104: {  	v2 =	vperm.xlane v2, v0;
	_ =	sdelay $0x1  }
0x105: {  	v2 =	vadd.s32 v1, v2;
	_ =	sdelay $0x4  }
0x106: {  	[tilespmem:s20], [sflag:$0x1] =	stream.indirect_vreg.gather [hbm4b:s1+s3], $0x80, v2, vm0, $0xb8;
	[tilespmem:$0x1D000] =	vst v63  }
0x107: {  	s21 =	simm.s32 $0x1800  }
0x108: {  	[tilespmem:s21], [sflag:$0x1] =	stream.indirect_vreg.gather [hbm4b:s5+s3], $0x80, v2, vm0, $0xb8;
	[tilespmem:$0x1D000] =	vst v63  }
0x109: {  	s30 =	simm.s32 $0x2000  }
0x10a: {  	[tilespmem:s30], [sflag:$0x1] =	stream.indirect_vreg.gather [hbm4b:s6+s3], $0x80, v2, vm0, $0xb8;
	[tilespmem:$0x1D000] =	vst v63  }
0x10b: {  	s2 =	simm.s32 $0x2800  }
0x10c: {  	[tilespmem:s2], [sflag:$0x1] =	stream.indirect_vreg.gather [hbm4b:s7+s3], $0x80, v2, vm0, $0xb8;
	[tilespmem:$0x1D000] =	vst v63  }
0x10d: {  	s21 =	simm.s32 $0x3000  }
0x10e: {  	[tilespmem:s21], [sflag:$0x1] =	stream.indirect_vreg.gather [hbm4b:s8+s3], $0x80, v2, vm0, $0xb8;
	[tilespmem:$0x1D000] =	vst v63  }
0x10f: {  	s30 =	simm.s32 $0x3800  }
0x110: {  	[tilespmem:s30], [sflag:$0x1] =	stream.indirect_vreg.gather [hbm4b:s9+s3], $0x80, v2, vm0, $0xb8;
	[tilespmem:$0x1D000] =	vst v63  }
0x111: {  	s2 =	simm.s32 $0x4000  }
0x112: {  	[tilespmem:s2], [sflag:$0x1] =	stream.indirect_vreg.gather [hbm4b:s10+s3], $0x80, v2, vm0, $0xb8;
	[tilespmem:$0x1D000] =	vst v63  }
0x113: {  	s21 =	simm.s32 $0x4800  }
0x114: {  	[tilespmem:s21], [sflag:$0x1] =	stream.indirect_vreg.gather [hbm4b:s11+s3], $0x80, v2, vm0, $0xb8;
	[tilespmem:$0x1D000] =	vst v63  }
0x115: {  	_ =	swait.ge [sflag:s25], $0x4000  }
0x116: {  	[sflag:s25] =	ssyncset.done $0x0  }
0x117: {  	s30 =	simm.s32 $0x5000;
	s21 =	simm.s32 $0x9;
	[sflag:s25] =	ssyncadd.s32 $0xFFFFC000  }
0x118: {  	[hbm4b:s12+s3] =	stream.linear.scatter [tilespmem:s30], [sflag:$0x9], $0x4000, $0x38;
	[tilespmem:$0x1D000] =	vst v63  }
0x119: {  	_ =	swait.ge [sflag:s21], $0x4000  }
0x11a: {  	[sflag:s21] =	ssyncset.done $0x0  }
0x11b: {  	[sflag:s21] =	ssyncadd.s32 $0xFFFFC000  }
0x11c: {  	v2 =	vld.msk [tilespmem:s28+$0xFFFFFFD8], $0xff;
	_ =	sdelay $0x4  }
0x11d: {  	v3 =	vshll.u32 v2, $0x4  }
0x11e: {  	v2 =	vand.u32 $0x7, v2;
	v3 =	vand.u32 $0xFFFFFF80, v3  }
0x11f: {  	v2 =	vor.u32 v2, v3  }
0x120: {  	v2 =	vperm.xlane v2, v0;
	_ =	sdelay $0x1  }
0x121: {  	v2 =	vadd.s32 v1, v2;
	_ =	sdelay $0x4  }
0x122: {  	[tilespmem:s30], [sflag:$0x2] =	stream.indirect_vreg.gather [hbm4b:s1+s3], $0x80, v2, vm0, $0xb8;
	[tilespmem:$0x1D000] =	vst v63  }
0x123: {  	s30 =	simm.s32 $0x5800  }
0x124: {  	[tilespmem:s30], [sflag:$0x2] =	stream.indirect_vreg.gather [hbm4b:s5+s3], $0x80, v2, vm0, $0xb8;
	[tilespmem:$0x1D000] =	vst v63  }
0x125: {  	s2 =	simm.s32 $0x6000  }
0x126: {  	[tilespmem:s2], [sflag:$0x2] =	stream.indirect_vreg.gather [hbm4b:s6+s3], $0x80, v2, vm0, $0xb8;
	[tilespmem:$0x1D000] =	vst v63  }
0x127: {  	s20 =	simm.s32 $0x6800  }
0x128: {  	[tilespmem:s20], [sflag:$0x2] =	stream.indirect_vreg.gather [hbm4b:s7+s3], $0x80, v2, vm0, $0xb8;
	[tilespmem:$0x1D000] =	vst v63  }
0x129: {  	s30 =	simm.s32 $0x7000  }
0x12a: {  	[tilespmem:s30], [sflag:$0x2] =	stream.indirect_vreg.gather [hbm4b:s8+s3], $0x80, v2, vm0, $0xb8;
	[tilespmem:$0x1D000] =	vst v63  }
0x12b: {  	s2 =	simm.s32 $0x7800  }
0x12c: {  	[tilespmem:s2], [sflag:$0x2] =	stream.indirect_vreg.gather [hbm4b:s9+s3], $0x80, v2, vm0, $0xb8;
	[tilespmem:$0x1D000] =	vst v63  }
0x12d: {  	s20 =	simm.s32 $0x8000  }
0x12e: {  	[tilespmem:s20], [sflag:$0x2] =	stream.indirect_vreg.gather [hbm4b:s10+s3], $0x80, v2, vm0, $0xb8;
	[tilespmem:$0x1D000] =	vst v63  }
0x12f: {  	s21 =	simm.s32 $0x5000;
	s30 =	simm.s32 $0x8800  }
0x130: {  	[tilespmem:s30], [sflag:$0x2] =	stream.indirect_vreg.gather [hbm4b:s11+s3], $0x80, v2, vm0, $0xb8;
	[tilespmem:$0x1D000] =	vst v63  }
.LBB2_5:
.Ltmp6:
0x131: {  	_ =	swait.ge [sflag:s26], $0x4000;
	(pc) =	sbr.rel @!p0 .LBB2_6-.Ltmp6, $4  }
0x132: {  	[sflag:s26] =	ssyncset.done $0x0  }
0x133: {  	s12 =	sadd.s32 s24, s14;
	s20 =	simm.s32 $0x9000;
	[sflag:s26] =	ssyncadd.s32 $0xFFFFC000  }
0x134: {  	[hbm4b:s12+s3] =	stream.linear.scatter [tilespmem:s20], [sflag:$0xA], $0x4000, $0x38;
	[tilespmem:$0x1D000] =	vst v63  }
0x135: {  	s12 =	sadd.s32 s24, s19  }
.Ltmp7:
0x136: {  	(pc) =	sbr.rel .LBB2_8-.Ltmp7, $4  }
0x137: {  	_ =	swait.ge [sflag:s29], $0x4000  }
0x138: {  	[sflag:s29] =	ssyncset.done $0x0  }
0x139: {  	[sflag:s29] =	ssyncadd.s32 $0xFFFFC000  }
0x13a: {  	[hbm4b:s12+s3] =	stream.linear.scatter [tilespmem:s23], [sflag:$0xB], $0x4000, $0x38;
	[tilespmem:$0x1D000] =	vst v63  }
.LBB2_6:
0x13b: {  	s2 =	simm.s32 $0xA  }
0x13c: {  	_ =	swait.ge [sflag:s2], $0x4000  }
0x13d: {  	[sflag:s2] =	ssyncset.done $0x0  }
0x13e: {  	[sflag:s2] =	ssyncadd.s32 $0xFFFFC000  }
0x13f: {  	v2 =	vld.msk [tilespmem:s28+$0xFFFFFFE0], $0xff;
	_ =	sdelay $0x4  }
0x140: {  	v3 =	vshll.u32 v2, $0x4  }
0x141: {  	v2 =	vand.u32 $0x7, v2;
	v3 =	vand.u32 $0xFFFFFF80, v3  }
0x142: {  	v2 =	vor.u32 v2, v3  }
0x143: {  	v2 =	vperm.xlane v2, v0;
	_ =	sdelay $0x1  }
0x144: {  	v2 =	vadd.s32 v1, v2;
	_ =	sdelay $0x4  }
0x145: {  	[tilespmem:s20], [sflag:$0x3] =	stream.indirect_vreg.gather [hbm4b:s1+s3], $0x80, v2, vm0, $0xb8;
	[tilespmem:$0x1D000] =	vst v63  }
0x146: {  	s23 =	simm.s32 $0x9800  }
0x147: {  	[tilespmem:s23], [sflag:$0x3] =	stream.indirect_vreg.gather [hbm4b:s5+s3], $0x80, v2, vm0, $0xb8;
	[tilespmem:$0x1D000] =	vst v63  }
0x148: {  	s30 =	simm.s32 $0xA000  }
0x149: {  	[tilespmem:s30], [sflag:$0x3] =	stream.indirect_vreg.gather [hbm4b:s6+s3], $0x80, v2, vm0, $0xb8;
	[tilespmem:$0x1D000] =	vst v63  }
0x14a: {  	s2 =	simm.s32 $0xA800  }
0x14b: {  	[tilespmem:s2], [sflag:$0x3] =	stream.indirect_vreg.gather [hbm4b:s7+s3], $0x80, v2, vm0, $0xb8;
	[tilespmem:$0x1D000] =	vst v63  }
0x14c: {  	s23 =	simm.s32 $0xB000  }
0x14d: {  	[tilespmem:s23], [sflag:$0x3] =	stream.indirect_vreg.gather [hbm4b:s8+s3], $0x80, v2, vm0, $0xb8;
	[tilespmem:$0x1D000] =	vst v63  }
0x14e: {  	s30 =	simm.s32 $0xB800  }
0x14f: {  	[tilespmem:s30], [sflag:$0x3] =	stream.indirect_vreg.gather [hbm4b:s9+s3], $0x80, v2, vm0, $0xb8;
	[tilespmem:$0x1D000] =	vst v63  }
0x150: {  	s2 =	simm.s32 $0xC000  }
0x151: {  	[tilespmem:s2], [sflag:$0x3] =	stream.indirect_vreg.gather [hbm4b:s10+s3], $0x80, v2, vm0, $0xb8;
	[tilespmem:$0x1D000] =	vst v63  }
0x152: {  	s23 =	simm.s32 $0xC800  }
0x153: {  	[tilespmem:s23], [sflag:$0x3] =	stream.indirect_vreg.gather [hbm4b:s11+s3], $0x80, v2, vm0, $0xb8;
	[tilespmem:$0x1D000] =	vst v63  }
0x154: {  	_ =	swait.ge [sflag:s29], $0x4000  }
0x155: {  	[sflag:s29] =	ssyncset.done $0x0  }
0x156: {  	s30 =	simm.s32 $0xD000;
	s23 =	simm.s32 $0xB;
	[sflag:s29] =	ssyncadd.s32 $0xFFFFC000  }
0x157: {  	[hbm4b:s12+s3] =	stream.linear.scatter [tilespmem:s30], [sflag:$0xB], $0x4000, $0x38;
	[tilespmem:$0x1D000] =	vst v63  }
0x158: {  	_ =	swait.ge [sflag:s23], $0x4000  }
0x159: {  	[sflag:s23] =	ssyncset.done $0x0  }
0x15a: {  	[sflag:s23] =	ssyncadd.s32 $0xFFFFC000  }
0x15b: {  	v2 =	vld.msk [tilespmem:s28+$0xFFFFFFE8], $0xff;
	_ =	sdelay $0x4  }
0x15c: {  	v3 =	vshll.u32 v2, $0x4  }
0x15d: {  	v2 =	vand.u32 $0x7, v2;
	v3 =	vand.u32 $0xFFFFFF80, v3  }
0x15e: {  	v2 =	vor.u32 v2, v3  }
0x15f: {  	v2 =	vperm.xlane v2, v0;
	_ =	sdelay $0x1  }
0x160: {  	v2 =	vadd.s32 v1, v2;
	_ =	sdelay $0x4  }
0x161: {  	[tilespmem:s30], [sflag:$0x4] =	stream.indirect_vreg.gather [hbm4b:s1+s3], $0x80, v2, vm0, $0xb8;
	[tilespmem:$0x1D000] =	vst v63  }
0x162: {  	s30 =	simm.s32 $0xD800  }
0x163: {  	[tilespmem:s30], [sflag:$0x4] =	stream.indirect_vreg.gather [hbm4b:s5+s3], $0x80, v2, vm0, $0xb8;
	[tilespmem:$0x1D000] =	vst v63  }
0x164: {  	s2 =	simm.s32 $0xE000  }
0x165: {  	[tilespmem:s2], [sflag:$0x4] =	stream.indirect_vreg.gather [hbm4b:s6+s3], $0x80, v2, vm0, $0xb8;
	[tilespmem:$0x1D000] =	vst v63  }
0x166: {  	s20 =	simm.s32 $0xE800  }
0x167: {  	[tilespmem:s20], [sflag:$0x4] =	stream.indirect_vreg.gather [hbm4b:s7+s3], $0x80, v2, vm0, $0xb8;
	[tilespmem:$0x1D000] =	vst v63  }
0x168: {  	s30 =	simm.s32 $0xF000  }
0x169: {  	[tilespmem:s30], [sflag:$0x4] =	stream.indirect_vreg.gather [hbm4b:s8+s3], $0x80, v2, vm0, $0xb8;
	[tilespmem:$0x1D000] =	vst v63  }
0x16a: {  	s2 =	simm.s32 $0xF800  }
0x16b: {  	[tilespmem:s2], [sflag:$0x4] =	stream.indirect_vreg.gather [hbm4b:s9+s3], $0x80, v2, vm0, $0xb8;
	[tilespmem:$0x1D000] =	vst v63  }
0x16c: {  	s20 =	simm.s32 $0x10000  }
0x16d: {  	[tilespmem:s20], [sflag:$0x4] =	stream.indirect_vreg.gather [hbm4b:s10+s3], $0x80, v2, vm0, $0xb8;
	[tilespmem:$0x1D000] =	vst v63  }
0x16e: {  	s23 =	simm.s32 $0xD000;
	s30 =	simm.s32 $0x10800  }
0x16f: {  	[tilespmem:s30], [sflag:$0x4] =	stream.indirect_vreg.gather [hbm4b:s11+s3], $0x80, v2, vm0, $0xb8;
	[tilespmem:$0x1D000] =	vst v63  }
.LBB2_8:
.Ltmp8:
0x170: {  	_ =	swait.ge [sflag:s31], $0x4000;
	(pc) =	sbr.rel @p0 .LBB2_10-.Ltmp8, $4  }
0x171: {  	[sflag:s31] =	ssyncset.done $0x0  }
0x172: {  	s12 =	sadd.s32 s24, s15;
	s20 =	simm.s32 $0x11000;
	[sflag:s31] =	ssyncadd.s32 $0xFFFFC000  }
0x173: {  	[hbm4b:s12+s3] =	stream.linear.scatter [tilespmem:s20], [sflag:$0xC], $0x4000, $0x38;
	[tilespmem:$0x1D000] =	vst v63  }
0x174: {  	s12 =	sadd.s32 s24, s18  }
0x175: {  	s2 =	simm.s32 $0xC  }
0x176: {  	_ =	swait.ge [sflag:s2], $0x4000  }
0x177: {  	[sflag:s2] =	ssyncset.done $0x0  }
0x178: {  	[sflag:s2] =	ssyncadd.s32 $0xFFFFC000  }
0x179: {  	v2 =	vld.msk [tilespmem:s28+$0xFFFFFFF0], $0xff;
	_ =	sdelay $0x4  }
0x17a: {  	v3 =	vshll.u32 v2, $0x4  }
0x17b: {  	v2 =	vand.u32 $0x7, v2;
	v3 =	vand.u32 $0xFFFFFF80, v3  }
0x17c: {  	v2 =	vor.u32 v2, v3  }
0x17d: {  	v2 =	vperm.xlane v2, v0;
	_ =	sdelay $0x1  }
0x17e: {  	v2 =	vadd.s32 v1, v2;
	_ =	sdelay $0x4  }
0x17f: {  	[tilespmem:s20], [sflag:$0x5] =	stream.indirect_vreg.gather [hbm4b:s1+s3], $0x80, v2, vm0, $0xb8;
	[tilespmem:$0x1D000] =	vst v63  }
0x180: {  	s13 =	simm.s32 $0x11800  }
0x181: {  	[tilespmem:s13], [sflag:$0x5] =	stream.indirect_vreg.gather [hbm4b:s5+s3], $0x80, v2, vm0, $0xb8;
	[tilespmem:$0x1D000] =	vst v63  }
0x182: {  	s13 =	simm.s32 $0x12000  }
0x183: {  	[tilespmem:s13], [sflag:$0x5] =	stream.indirect_vreg.gather [hbm4b:s6+s3], $0x80, v2, vm0, $0xb8;
	[tilespmem:$0x1D000] =	vst v63  }
0x184: {  	s13 =	simm.s32 $0x12800  }
0x185: {  	[tilespmem:s13], [sflag:$0x5] =	stream.indirect_vreg.gather [hbm4b:s7+s3], $0x80, v2, vm0, $0xb8;
	[tilespmem:$0x1D000] =	vst v63  }
0x186: {  	s13 =	simm.s32 $0x13000  }
0x187: {  	[tilespmem:s13], [sflag:$0x5] =	stream.indirect_vreg.gather [hbm4b:s8+s3], $0x80, v2, vm0, $0xb8;
	[tilespmem:$0x1D000] =	vst v63  }
0x188: {  	s13 =	simm.s32 $0x13800  }
0x189: {  	[tilespmem:s13], [sflag:$0x5] =	stream.indirect_vreg.gather [hbm4b:s9+s3], $0x80, v2, vm0, $0xb8;
	[tilespmem:$0x1D000] =	vst v63  }
0x18a: {  	s13 =	simm.s32 $0x14000  }
0x18b: {  	[tilespmem:s13], [sflag:$0x5] =	stream.indirect_vreg.gather [hbm4b:s10+s3], $0x80, v2, vm0, $0xb8;
	[tilespmem:$0x1D000] =	vst v63  }
0x18c: {  	s13 =	simm.s32 $0x14800  }
0x18d: {  	[tilespmem:s13], [sflag:$0x5] =	stream.indirect_vreg.gather [hbm4b:s11+s3], $0x80, v2, vm0, $0xb8;
	[tilespmem:$0x1D000] =	vst v63  }
0x18e: {  	_ =	swait.ge [sflag:s0], $0x4000  }
0x18f: {  	[sflag:s0] =	ssyncset.done $0x0  }
0x190: {  	s20 =	simm.s32 $0x15000;
	s13 =	simm.s32 $0xD;
	[sflag:s0] =	ssyncadd.s32 $0xFFFFC000  }
0x191: {  	[hbm4b:s12+s3] =	stream.linear.scatter [tilespmem:s20], [sflag:$0xD], $0x4000, $0x38;
	[tilespmem:$0x1D000] =	vst v63  }
0x192: {  	_ =	swait.ge [sflag:s13], $0x4000  }
0x193: {  	[sflag:s13] =	ssyncset.done $0x0  }
0x194: {  	[sflag:s13] =	ssyncadd.s32 $0xFFFFC000  }
0x195: {  	v2 =	vld.msk [tilespmem:s28+$0xFFFFFFF8], $0xff;
	_ =	sdelay $0x4  }
0x196: {  	v3 =	vshll.u32 v2, $0x4  }
0x197: {  	v2 =	vand.u32 $0x7, v2;
	v3 =	vand.u32 $0xFFFFFF80, v3  }
0x198: {  	v2 =	vor.u32 v2, v3  }
0x199: {  	v2 =	vperm.xlane v2, v0;
	_ =	sdelay $0x1  }
0x19a: {  	v2 =	vadd.s32 v1, v2;
	_ =	sdelay $0x4  }
0x19b: {  	[tilespmem:s20], [sflag:$0x6] =	stream.indirect_vreg.gather [hbm4b:s1+s3], $0x80, v2, vm0, $0xb8;
	[tilespmem:$0x1D000] =	vst v63  }
0x19c: {  	s20 =	simm.s32 $0x15800  }
0x19d: {  	[tilespmem:s20], [sflag:$0x6] =	stream.indirect_vreg.gather [hbm4b:s5+s3], $0x80, v2, vm0, $0xb8;
	[tilespmem:$0x1D000] =	vst v63  }
0x19e: {  	s20 =	simm.s32 $0x16000  }
0x19f: {  	[tilespmem:s20], [sflag:$0x6] =	stream.indirect_vreg.gather [hbm4b:s6+s3], $0x80, v2, vm0, $0xb8;
	[tilespmem:$0x1D000] =	vst v63  }
0x1a0: {  	s20 =	simm.s32 $0x16800  }
0x1a1: {  	[tilespmem:s20], [sflag:$0x6] =	stream.indirect_vreg.gather [hbm4b:s7+s3], $0x80, v2, vm0, $0xb8;
	[tilespmem:$0x1D000] =	vst v63  }
0x1a2: {  	s20 =	simm.s32 $0x17000  }
0x1a3: {  	[tilespmem:s20], [sflag:$0x6] =	stream.indirect_vreg.gather [hbm4b:s8+s3], $0x80, v2, vm0, $0xb8;
	[tilespmem:$0x1D000] =	vst v63  }
0x1a4: {  	s20 =	simm.s32 $0x17800  }
0x1a5: {  	[tilespmem:s20], [sflag:$0x6] =	stream.indirect_vreg.gather [hbm4b:s9+s3], $0x80, v2, vm0, $0xb8;
	[tilespmem:$0x1D000] =	vst v63  }
.Ltmp9:
0x1a6: {  	_ = 	snop;
	(pc) =	sbr.rel .LBB2_11-.Ltmp9, $4  }
0x1a7: {  	s30 =	simm.s32 $0x9000;
	s20 =	simm.s32 $0x18000  }
0x1a8: {  	[tilespmem:s20], [sflag:$0x6] =	stream.indirect_vreg.gather [hbm4b:s10+s3], $0x80, v2, vm0, $0xb8;
	[tilespmem:$0x1D000] =	vst v63  }
0x1a9: {  	s2 =	simm.s32 $0x11000;
	s13 =	simm.s32 $0x15000;
	s20 =	simm.s32 $0x18800  }
0x1aa: {  	[tilespmem:s20], [sflag:$0x6] =	stream.indirect_vreg.gather [hbm4b:s11+s3], $0x80, v2, vm0, $0xb8;
	[tilespmem:$0x1D000] =	vst v63  }
.LBB2_13:
0x1ab: {  	_ =	sfence.sel $0x180000  }
0x1ac: {  	[bflag:$0x0] =	sbarrier.arrive $0xFFFF  }
0x1ad: {  	_ =	strace $0x90000047  }
0x1ae: {  	s0 =	stileid.u32;
	[bflag:$0x2] =	sbarrier.arrive $0xFFFF  }
0x1af: {  	p0 =	sne.s32 s0, $0x0;
	s0 =	rddreg [dreg:$0x2]  }
0x1b0: {  	s0 =	sadd.s32 @!p0 $0x100000, s0  }
0x1b1: {  	[sflag:s0] =	ssyncadd.tile.s32 @!p0 $0x1;
	_ =	shalt  }
.Lfunc_end2:
_tile_overlayer_lowered:
.L_overlay_start_2:
0x1b2: {  	(tag) =	ssettag $0x2  }
0x1b3: {  	s0 =	rddreg [dreg:$0x0];
	s2 =	stileid.u32  }
0x1b4: {  	s1 =	rddreg [dreg:$0x1];
	p0 =	sne.s32 s2, $0x0  }
0x1b5: {  	s3 =	rddreg [dreg:$0x2];
	[bflag:$0x3] =	sbarrier.arrive $0xFFFF;
	s2 =	simm.s32 @!p0 $0x1C0F  }
0x1b6: {  	[timem:s3], [sflag:s2] =	dma.local @!p0 [hbm:s0], s1  }
0x1b7: {  	s0 =	simm.s32 @!p0 $0xF  }
0x1b8: {  	_ =	swait.ge @!p0 [sflag:s0], s1  }
0x1b9: {  	s1 =	ssub.s32 @!p0 $0x0, s1;
	[sflag:s0] =	ssyncset.done @!p0 $0x0  }
0x1ba: {  	[sflag:s0] =	ssyncadd.s32 @!p0 s1  }
0x1bb: {  	[bflag:$0x3] =	sbarrier.arrive $0xFFFF  }
0x1bc: {  	_ =	shalt  }

// kernel: sparse-core-data-format-call.cloned.1.call-start
scs
called_computation_lowered:
.L_overlay_start_0:
0x0: {  	s2 =	sld [smem:$0x3FD9]  }
0x1: {  	s3 =	sld [smem:$0x3FFE];
	_ =	sdelay $0x1  }
0x2: {  	s1 =	srdreg.scid  }
0x3: {  	s0 =	sand.u32 $0x1, s1  }
0x4: {  	s18 =	sshll.u32 s0, $0xA;
	s2 =	sadd.s32 s3, s2  }
0x5: {  	s2 =	sadd.s32 s2, s18  }
0x6: {  	[smem:$0x3FC6] =	sst s2  }
0x7: {  	_ = 	snop  }
0x8: {  	s2 =	sld [smem:$0x3FD0];
	(tm) =	ssettm $0x1  }
0x9: {  	s19 =	sld [smem:$0x3FFB];
	_ =	sdelay $0x3  }
0xa: {  	_ =	strace s19  }
0xb: {  	s3 =	sld [smem:$0x3FFC];
	_ =	sdelay $0x3  }
0xc: {  	_ =	strace s3  }
0xd: {  	s3 =	sld [smem:$0x3FFD];
	_ =	sdelay $0x3  }
0xe: {  	_ =	strace s3  }
0xf: {  	_ =	strace $0x8FFFFFFF  }
0x10: {  	s20 =	sld [smem:$0x3FDB];
	_ =	sdelay $0x1  }
0x11: {  	s4 =	simm.s32 $_scs_section_size  }
0x12: {  	s5 =	simm.s32 $_size__tile_overlayer_lowered;
	s6 =	simm.s32 $_tile_overlayer_lowered  }
0x13: {  	s23 =	simm.s32 $0x1BFF;
	s22 =	sshll.u32 s6, $0x1;
	s3 =	sadd.s32 s4, s20  }
0x14: {  	s7 =	simm.s32 $0x0;
	s21 =	sshll.u32 s5, $0x1;
	s5 =	sadd.s32 s22, s3  }
0x15: {  	[timem:s7], [sflag:s23] =	dma.local [hbm:s5], s21  }
0x16: {  	_ =	swait.ge [sflag:s23], s21  }
0x17: {  	s4 =	ssub.s32 $0x0, s21;
	[sflag:s23] =	ssyncset.done $0x0  }
0x18: {  	[sflag:s23] =	ssyncadd.s32 s4;
	_ =	sdelay $0x1  }
0x19: {  	s24 =	simm.s32 $0x1B8B  }
0x1a: {  	_ =	swait.ge [sflag:s24], $0x1  }
0x1b: {  	[sflag:s24] =	ssyncset.done $0x0  }
0x1c: {  	s26 =	simm.s32 $0x1B8E;
	s25 =	sld [smem:$0x3FFE];
	[sflag:s24] =	ssyncadd.s32 $0xFFFFFFFF  }
0x1d: {  	s27 =	simm.s32 $execute0_lowered;
	[smem:$0x3FD2] =	sst s26  }
0x1e: {  	s5 =	sshll.u32 s27, $0x1;
	_ =	strace $0x80000049;
	[dreg:$0x1] =	wrdreg $0xFFFFFFFF  }
0x1f: {  	s28 =	simm.s32 $_size_execute0_lowered;
	s3 =	sadd.s32 s3, s5;
	[dreg:$0x0] =	wrdreg $0x0  }
0x20: {  	s5 =	sshll.u32 s28, $0x1;
	[dreg:$0x2] =	wrdreg s3  }
0x21: {  	[dreg:$0x3] =	wrdreg s5  }
0x22: {  	[dreg:$0x4] =	wrdreg $0xC0  }
0x23: {  	_ =	task [dreg:s7], $0x5FFFF  }
0x24: {  	[dreg:$0x1] =	wrdreg $0xFFFFFFFF  }
0x25: {  	[dreg:$0x0] =	wrdreg $0x60  }
0x26: {  	[dreg:$0x2] =	wrdreg s25  }
0x27: {  	[dreg:$0x3] =	wrdreg s2  }
0x28: {  	[dreg:$0x4] =	wrdreg $0x9  }
0x29: {  	_ =	task.clear_ibuf [dreg:s7], $0x5FFFF;
	_ =	strace $0x90000049  }
0x2a: {  	s29 =	simm.s32 $0x9;
	_ =	strace $0x8000004B  }
0x2b: {  	_ =	swait.ge [sflag:s29], $0x1  }
0x2c: {  	[sflag:s29] =	ssyncadd.s32 $0xFFFFFFFF  }
0x2d: {  	_ =	strace $0x9000004B  }
0x2e: {  	_ =	sfence  }
0x2f: {  	s30 =	sld [smem:$0x0];
	_ =	sdelay $0x2  }
0x30: {  	s31 =	sshll.u32 s1, $0xD;
	s1 =	sshrl.u32 s1, $0x2  }
0x31: {  	s3 =	sand.u32 $0x4000, s31;
	s1 =	sadd.s32 s1, s30  }
0x32: {  	s0 =	sor.u32 s3, s0;
	s1 =	sshll.u32 s1, $0x11  }
0x33: {  	s0 =	sor.u32 s1, s0  }
0x34: {  	s0 =	sadd.s32 $0x8F2B, s0  }
0x35: {  	[sflag:s0] =	ssyncadd.remote.s32 $0x1  }
0x36: {  	_ =	sfence.sel $0xFFFF  }
0x37: {  	[dreg:$0x0] =	wrdreg $0xFFFFFFFF;
	(pc) =	sbr.abs _section_cstart, $3  }
0x38: {  	[dreg:$0x1] =	wrdreg $0xFFFFFFFF  }
0x39: {  	_ =	task.clear_ibuf [dreg:s7], $0x2FFFF;
	_ =	strace $0x9FFFFFFF  }
0x3a: {  	(tm) =	ssettm $0x7FFFFFFF  }
0x3b: {  	_ =	shalt  }
tec
execute0_lowered:
.L_overlay_start_1:
0x0: {  	(tag) =	ssettag $0x1  }
0x1: {  	s0 =	srdreg.scid  }
0x2: {  	s1 =	sshll.u32 s0, $0x4  }
0x3: {  	s6 =	rddreg [dreg:$0x0];
	s0 =	stileid.u32;
	s1 =	sand.u32 $0x10, s1  }
0x4: {  	s3 =	rddreg [dreg:$0x1];
	s1 =	sor.u32 s0, s1  }
0x5: {  	s5 =	simm.s32 $0x1;
	s31 =	simm.s32 $0x2;
	s2 =	sshll.u32 s1, $0x7  }
0x6: {  	s14 =	simm.s32 $0x0;
	s8 =	simm.s32 $0x4000;
	s4 =	ssub.s32 $0x1000, s2  }
0x7: {  	s9 =	simm.s32 $0x0;
	s15 =	simm.s32 $0x0;
	s30 =	sand.u32 $0xF80, s4  }
0x8: {  	s16 =	simm.s32 $0x0;
	s10 =	simm.s32 $0x0;
	p0 =	sne.s32 s30, $0x0  }
.Ltmp0:
0x9: {  	s7 =	sshrl.u32 s4, $0xC;
	s5 =	simm.s32 @!p0 $0x0;
	(pc) =	sbr.rel .LBB1_1-.Ltmp0, $4  }
0xa: {  	s11 =	simm.s32 $0x0;
	s1 =	rddreg [dreg:$0x2];
	s5 =	sadd.s32 s5, s7  }
0xb: {  	_ =	strace $0x8000004A;
	s4 =	simm.s32 $0x1;
	s5 =	smul.u32 $0x320, s5  }
0xc: {  	s13 =	simm.s32 $0x0;
	s6 =	sadd.s32 $0xE04E00, s6;
	[sflag:s4] =	ssyncpa.u1 $0x0  }
0xd: {  	s12 =	smov.u32 s2;
	[sflag:s31] =	ssyncpa.u1 $0x0;
	s7 =	sor.u32 $0x1, s5  }
.LBB1_4:
0xe: {  	_ =	sdelay $0x3  }
0xf: {  	[tilespmem:v0+s19+$0xFFFFFFD0 ss:$0x1] =	vst.idx.msk $0xffff, v6  }
0x10: {  	v56 =	vld.idx.msk [tilespmem:v1+s18+$0x0 ss:$0x1], $0xffff;
	[tilespmem:v0+s19+$0xFFFFFFE0 ss:$0x1] =	vst.idx.msk $0xffff, v4  }
0x11: {  	v57 =	vld.idx.msk [tilespmem:v1+s18+$0xFFFFFF90 ss:$0x1], $0xffff;
	[tilespmem:v0+s19+$0xFFFFFFF0 ss:$0x1] =	vst.idx.msk $0xffff, v2  }
0x12: {  	v58 =	vld.idx.msk [tilespmem:v1+s18+$0xFFFFFFA0 ss:$0x1], $0xffff;
	[tilespmem:v0+s19+$0x0 ss:$0x1] =	vst.idx.msk $0xffff, v3  }
0x13: {  	v59 =	vld.idx.msk [tilespmem:v1+s18+$0xFFFFFFB0 ss:$0x1], $0xffff;
	[tilespmem:v0+s19+$0x10 ss:$0x1] =	vst.idx.msk $0xffff, v5  }
0x14: {  	v60 =	vld.idx.msk [tilespmem:v1+s18+$0xFFFFFFC0 ss:$0x1], $0xffff;
	[tilespmem:v0+s19+$0x20 ss:$0x1] =	vst.idx.msk $0xffff, v7  }
0x15: {  	v61 =	vld.idx.msk [tilespmem:v1+s18+$0xFFFFFFD0 ss:$0x1], $0xffff;
	[tilespmem:v0+s18+$0x30 ss:$0x1] =	vst.idx.msk $0xffff, v56  }
0x16: {  	v62 =	vld.idx.msk [tilespmem:v1+s18+$0xFFFFFFE0 ss:$0x1], $0xffff;
	s27 =	sand.u32 $0x78, s14;
	s20 =	sshll.u32 s16, $0xB;
	s28 =	sshll.u32 s16, $0x7;
	[tilespmem:v0+s18+$0xFFFFFFC0 ss:$0x1] =	vst.idx.msk $0xffff, v57  }
0x17: {  	v63 =	vld.idx.msk [tilespmem:v1+s18+$0xFFFFFFF0 ss:$0x1], $0xffff;
	s21 =	sshll.u32 s14, $0x3;
	s15 =	sshll.u32 s15, $0x14;
	s20 =	sand.u32 $0x7FC000, s20;
	[tilespmem:v0+s18+$0xFFFFFFD0 ss:$0x1] =	vst.idx.msk $0xffff, v58  }
0x18: {  	s31 =	sand.u32 $0x7, s14;
	s16 =	sand.u32 $0x380, s28;
	s29 =	sadd.s32 s20, s21;
	[tilespmem:v0+s18+$0xFFFFFFE0 ss:$0x1] =	vst.idx.msk $0xffff, v59  }
0x19: {  	s30 =	sand.u32 $0x400, s21;
	s16 =	sor.u32 s16, s27;
	s19 =	sshrl.u32 s29, $0x3;
	[tilespmem:v0+s18+$0xFFFFFFF0 ss:$0x1] =	vst.idx.msk $0xffff, v60  }
0x1a: {  	s15 =	sadd.s32 s3, s15;
	s16 =	sor.u32 s30, s16;
	s19 =	sand.u32 $0xFFF00, s19;
	[tilespmem:v0+s18+$0x0 ss:$0x1] =	vst.idx.msk $0xffff, v61  }
0x1b: {  	s14 =	sshll.u32 s31, $0x12;
	s16 =	sshrl.u32 s16, $0x3;
	[tilespmem:v0+s18+$0x10 ss:$0x1] =	vst.idx.msk $0xffff, v62;
	s15 =	sadd.s32 s19, s15  }
0x1c: {  	s14 =	sor.u32 $0x400, s14;
	[tilespmem:v0+s18+$0x20 ss:$0x1] =	vst.idx.msk $0xffff, v63;
	s15 =	sadd.s32 s16, s15  }
0x1d: {  	[hbm4b:s15+s14] =	stream.strided.scatter [tilespmem:s17], [sflag:$0x2], $0x4000, s8, s14, $0x38;
	[tilespmem:$0x10000] =	vst v63  }
.LBB1_5:
0x1e: {  	s17 =	sadd.s32 $0x80, s10  }
0x1f: {  	s14 =	simm.s32 $0x1;
	p1 =	sgt.s32 s17, $0x7FF  }
0x20: {  	s14 =	simm.s32 @!p1 $0x0  }
0x21: {  	s18 =	sadd.s32 s14, s11  }
0x22: {  	s20 =	smov.u32 s12;
	s14 =	sadd.s32 $0x1000, s12;
	p2 =	sgt.s32 s18, $0x31  }
0x23: {  	s20 =	smov.u32 @p2 s14  }
0x24: {  	p0 =	slt.u32 s13, $0x2;
	s17 =	simm.s32 @p1 $0x0;
	p1 =	sgt.s32 s20, $0xFFF  }
0x25: {  	s19 =	simm.s32 @!p0 $0x2;
	s20 =	smov.u32 @p1 s2;
	p1 =	sne.s32 s13, s7  }
.Ltmp1:
0x26: {  	_ =	swait.ge @!p0 [sflag:s19], $0x4000;
	(pc) =	sbr.rel @!p1 .LBB1_6-.Ltmp1, $4  }
0x27: {  	s15 =	smov.u32 s11;
	[sflag:s19] =	ssyncset.done @!p0 $0x0  }
0x28: {  	s16 =	smov.u32 s12;
	s9 =	sadd.s32 $0x4000, s9;
	[sflag:s19] =	ssyncadd.s32 @!p0 $0xFFFFC000  }
0x29: {  	s18 =	simm.s32 @p2 $0x0;
	s14 =	smov.u32 s10;
	s10 =	smov.u32 s17  }
0x2a: {  	s11 =	smov.u32 s18;
	s13 =	sadd.s32 $0x1, s13;
	s12 =	smov.u32 s20  }
.LBB1_1:
0x2b: {  	p0 =	sge.u32 s13, s5  }
0x2c: {  	s17 =	sshll.u32 @!p0 s11, $0xB  }
0x2d: {  	s18 =	sshll.u32 @!p0 s10, $0x3;
	s17 =	sand.u32 @!p0 $0xFFFFC000, s17  }
0x2e: {  	s17 =	sadd.s32 @!p0 s17, s18  }
0x2f: {  	s31 =	sadd.s32 $0xFFFFFFFF, s13;
	s21 =	sshll.u32 @!p0 s11, $0x7;
	s17 =	sshrl.u32 @!p0 s17, $0xB  }
0x30: {  	s22 =	sand.u32 @!p0 $0x78, s10;
	s21 =	sand.u32 @!p0 $0x380, s21;
	s20 =	smulhi.u32 @!p0 $0x4924925, s17  }
0x31: {  	s19 =	sxor.u32 @!p0 $0xFFFFFFFF, s13;
	s21 =	sor.u32 @!p0 s21, s22;
	s22 =	smul.u32 @!p0 $0x3800, s12  }
0x32: {  	s19 =	sshll.u32 @!p0 s19, $0xE;
	s18 =	sand.u32 @!p0 $0x400, s18;
	s20 =	smul.u32 @!p0 $0x38, s20  }
0x33: {  	s19 =	sand.u32 @!p0 $0x4000, s19;
	s18 =	sor.u32 @!p0 s18, s21;
	s21 =	sand.u32 @!p0 $0x7, s10  }
0x34: {  	s18 =	sshrl.u32 @!p0 s18, $0x3;
	s17 =	ssub.s32 @!p0 s17, s20;
	s20 =	sadd.s32 @!p0 s6, s22  }
0x35: {  	s17 =	sshll.u32 @!p0 s17, $0x8;
	s18 =	sadd.s32 @!p0 s18, s20;
	s20 =	sshll.u32 @!p0 s21, $0x12  }
0x36: {  	s17 =	sadd.s32 @!p0 s17, s18;
	s18 =	sor.u32 @!p0 $0x80, s20;
	s20 =	simm.s32 @!p0 $0x1C000  }
0x37: {  	[tilespmem:s19], [sflag:$0x1] =	stream.strided.gather @!p0 [hbm4b:s17+s18], $0x4000, s20, s18, $0x38;
	[tilespmem:$0x10000] =	vst v63  }
0x38: {  	p0 =	sge.u32 s31, s5  }
.Ltmp2:
0x39: {  	_ = 	snop;
	(pc) =	sbr.rel @p0 .LBB1_5-.Ltmp2, $1  }
0x3a: {  	_ =	sdelay $0x3  }
0x3b: {  	s17 =	sand.u32 $0x4000, s9  }
0x3c: {  	s18 =	sor.u32 $0x70, s17  }
0x3d: {  	v1 =	vmov s18;
	_ =	sdelay $0x1  }
0x3e: {  	_ =	swait.ge [sflag:s4], $0x4000  }
0x3f: {  	[sflag:s4] =	ssyncset.done $0x0  }
0x40: {  	s19 =	simm.s32 $0x0;
	[sflag:s4] =	ssyncadd.s32 $0xFFFFC000  }
0x41: {  	s17 =	sor.u32 $0x8040, s17;
	v7 =	vld.idx.msk [tilespmem:v1+s19+$0x0 ss:$0x1], $0xffff  }
0x42: {  	v0 =	vmov s17;
	v8 =	vld.idx.msk [tilespmem:v1+s19+$0xFFFFFF90 ss:$0x1], $0xffff  }
0x43: {  	v6 =	vld.idx.msk [tilespmem:v1+s19+$0xFFFFFFA0 ss:$0x1], $0xffff  }
0x44: {  	v4 =	vld.idx.msk [tilespmem:v1+s19+$0xFFFFFFB0 ss:$0x1], $0xffff  }
0x45: {  	v2 =	vld.idx.msk [tilespmem:v1+s19+$0xFFFFFFC0 ss:$0x1], $0xffff  }
0x46: {  	s31 =	sshll.u32 s13, $0xE;
	v3 =	vld.idx.msk [tilespmem:v1+s19+$0xFFFFFFD0 ss:$0x1], $0xffff  }
0x47: {  	s17 =	sand.u32 $0x4000, s31;
	v5 =	vld.idx.msk [tilespmem:v1+s19+$0xFFFFFFE0 ss:$0x1], $0xffff;
	[tilespmem:v0+s19+$0x30 ss:$0x1] =	vst.idx.msk $0xffff, v7  }
0x48: {  	s20 =	simm.s32 $0x400;
	s18 =	simm.s32 $0x80;
	s17 =	sor.u32 $0x8000, s17;
	[tilespmem:v0+s19+$0xFFFFFFC0 ss:$0x1] =	vst.idx.msk $0xffff, v8;
	v7 =	vld.idx.msk [tilespmem:v1+s19+$0xFFFFFFF0 ss:$0x1], $0xffff  }
.LBB1_3:
0x49: {  	p0 =	sne.s32 s20, $0xFE00;
	v8 =	vld.idx.msk [tilespmem:v1+s18+$0x0 ss:$0x1], $0xffff;
	[tilespmem:v0+s19+$0xFFFFFFD0 ss:$0x1] =	vst.idx.msk $0xffff, v6  }
0x4a: {  	v9 =	vld.idx.msk [tilespmem:v1+s18+$0xFFFFFF90 ss:$0x1], $0xffff;
	[tilespmem:v0+s19+$0xFFFFFFE0 ss:$0x1] =	vst.idx.msk $0xffff, v4  }
0x4b: {  	v6 =	vld.idx.msk [tilespmem:v1+s18+$0xFFFFFFA0 ss:$0x1], $0xffff;
	[tilespmem:v0+s19+$0xFFFFFFF0 ss:$0x1] =	vst.idx.msk $0xffff, v2  }
.Ltmp3:
0x4c: {  	v4 =	vld.idx.msk [tilespmem:v1+s18+$0xFFFFFFB0 ss:$0x1], $0xffff;
	[tilespmem:v0+s19+$0x0 ss:$0x1] =	vst.idx.msk $0xffff, v3;
	(pc) =	sbr.rel @p0 .LBB1_3-.Ltmp3, $4  }
0x4d: {  	v2 =	vld.idx.msk [tilespmem:v1+s18+$0xFFFFFFC0 ss:$0x1], $0xffff;
	[tilespmem:v0+s19+$0x10 ss:$0x1] =	vst.idx.msk $0xffff, v5  }
0x4e: {  	v3 =	vld.idx.msk [tilespmem:v1+s18+$0xFFFFFFD0 ss:$0x1], $0xffff;
	[tilespmem:v0+s19+$0x20 ss:$0x1] =	vst.idx.msk $0xffff, v7;
	s19 =	smov.u32 s18  }
0x4f: {  	v5 =	vld.idx.msk [tilespmem:v1+s19+$0xFFFFFFE0 ss:$0x1], $0xffff;
	[tilespmem:v0+s19+$0x30 ss:$0x1] =	vst.idx.msk $0xffff, v8  }
0x50: {  	s18 =	sshra.s32 s20, $0x2;
	s20 =	sadd.s32 $0x200, s20;
	[tilespmem:v0+s19+$0xFFFFFFC0 ss:$0x1] =	vst.idx.msk $0xffff, v9;
	v7 =	vld.idx.msk [tilespmem:v1+s19+$0xFFFFFFF0 ss:$0x1], $0xffff  }
.Ltmp4:
0x51: {  	_ = 	snop;
	(pc) =	sbr.rel .LBB1_4-.Ltmp4, $1  }
0x52: {  	_ =	sdelay $0x3  }
.LBB1_6:
0x53: {  	_ =	sfence.sel $0x180000  }
0x54: {  	s2 =	simm.s32 $0x1;
	[bflag:$0x0] =	sbarrier.arrive $0xFFFF  }
0x55: {  	s31 =	simm.s32 $0x2;
	[sflag:s2] =	ssyncpa.u1 $0x1  }
0x56: {  	[sflag:s31] =	ssyncpa.u1 $0x1  }
0x57: {  	p0 =	sne.s32 s0, $0x0;
	_ =	strace $0x9000004A  }
0x58: {  	s0 =	sadd.s32 @!p0 $0x100000, s1;
	[bflag:$0x2] =	sbarrier.arrive $0xFFFF  }
0x59: {  	[sflag:s0] =	ssyncadd.tile.s32 @!p0 $0x1;
	_ =	shalt  }
.Lfunc_end1:
_tile_overlayer_lowered:
.L_overlay_start_2:
0x5a: {  	(tag) =	ssettag $0x2  }
0x5b: {  	s0 =	rddreg [dreg:$0x0];
	s2 =	stileid.u32  }
0x5c: {  	s1 =	rddreg [dreg:$0x1];
	p0 =	sne.s32 s2, $0x0  }
0x5d: {  	s3 =	rddreg [dreg:$0x2];
	[bflag:$0x3] =	sbarrier.arrive $0xFFFF;
	s2 =	simm.s32 @!p0 $0x1C01  }
0x5e: {  	[timem:s3], [sflag:s2] =	dma.local @!p0 [hbm:s0], s1  }
0x5f: {  	s0 =	simm.s32 @!p0 $0x1  }
0x60: {  	_ =	swait.ge @!p0 [sflag:s0], s1  }
0x61: {  	s1 =	ssub.s32 @!p0 $0x0, s1;
	[sflag:s0] =	ssyncset.done @!p0 $0x0  }
0x62: {  	[sflag:s0] =	ssyncadd.s32 @!p0 s1  }
0x63: {  	[bflag:$0x3] =	sbarrier.arrive $0xFFFF  }
0x64: {  	_ =	shalt  }

</sc_bundles>
